<compile_context>
chip_gen: v7x
topology: tpu7x:2x2x1
jax: 0.10.2.dev20260603
libtpu: 0.0.44.dev20260713+nightly
codegen_flags: <defaults>
</compile_context>

<pallas_src>
import functools

import jax
import jax.numpy as jnp
from jax import lax
from jax.experimental import pallas as pl
from jax.experimental.pallas import tpu as pltpu
from jax.experimental.pallas import tpu_sc as plsc

N_CLASSES = 100000
EMBED_DIM = 64
BATCH = 16384

_info = plsc.get_sparse_core_info()
_NC, _NS = _info.num_cores, _info.num_subcores
_NW = _NC * _NS
_B_PER_W = BATCH // _NW
_G = _B_PER_W // 16

_mesh = plsc.VectorSubcoreMesh(core_axis_name="c", subcore_axis_name="s")


@functools.partial(
    pl.kernel,
    mesh=_mesh,
    out_type=jax.ShapeDtypeStruct((EMBED_DIM, BATCH), jnp.float32),
    scratch_types=[
        pltpu.VMEM((_B_PER_W,), jnp.int32),
        pltpu.VMEM((_B_PER_W,), jnp.int32),
        pltpu.VMEM((_B_PER_W, 2 * EMBED_DIM), jnp.float32),
        pltpu.VMEM((EMBED_DIM, _B_PER_W), jnp.float32),
        pltpu.SemaphoreType.DMA,
    ],
    compiler_params=pltpu.CompilerParams(
        use_tc_tiling_on_sc=True, needs_layout_passes=False
    ),
)
def _embed_lookup(idx_hbm, table2_hbm, outT_hbm, idx_v, pidx_v, buf_v, outT_v, sem):
    wid = lax.axis_index("s") * _NC + lax.axis_index("c")
    base = wid * _B_PER_W
    lane = lax.iota(jnp.int32, 16)

    pltpu.sync_copy(idx_hbm.at[pl.ds(base, _B_PER_W)], idx_v)
    for u in range(_G):
        pidx_v[pl.ds(u * 16, 16)] = idx_v[pl.ds(u * 16, 16)] >> 1
    pltpu.async_copy(table2_hbm.at[pidx_v], buf_v, sem).wait()

    def body(g, carry):
        i_v = g * 16 + lane
        half_v = (idx_v[pl.ds(g * 16, 16)] & 1) * EMBED_DIM
        col_v = g * 16 + lane
        for k in range(16):
            perm = (lane + k) & 15
            for jb in range(EMBED_DIM // 16):
                j_v = jb * 16 + perm
                vals = plsc.load_gather(buf_v, [i_v, half_v + j_v])
                plsc.store_scatter(outT_v, [j_v, col_v], vals)
        return carry

    lax.fori_loop(0, _G, body, 0)
    pltpu.sync_copy(outT_v, outT_hbm.at[:, pl.ds(base, _B_PER_W)])


def kernel(cls, embed):
    table2 = embed.reshape(N_CLASSES // 2, 2 * EMBED_DIM)
    outT = _embed_lookup(cls.astype(jnp.int32), table2)
    return outT.T

# --- scband reference (transcript-rebuilt; emitter-appended) ---
"""Pipeline reference for scband-class-embed-45741401703152 (READ-ONLY COPY).

The authoritative reference and input builder live on the scoring server;
editing this copy changes nothing except your own understanding.
"""

import jax, jax.numpy as jnp
import numpy as np

N_CLASSES = 100000
EMBED_DIM = 64
BATCH = 16384

def setup_inputs(seed: int = 0) -> dict:
    key = jax.random.key(seed)
    k1, k2 = jax.random.split(key)
    cls = jax.random.randint(k1, (BATCH,), 0, N_CLASSES, dtype=jnp.int64 if jax.config.jax_enable_x64 else jnp.int32)
    # learned parameter: embedding table (original inits to zeros; use randn for a meaningful reference)
    embed = jax.random.normal(k2, (N_CLASSES, EMBED_DIM), dtype=jnp.float32) * 0.02
    return {"cls": cls, "embed": embed}

def reference(cls, embed):
    # ClassEmbed.forward: self.embed[cls.long()]
    return jnp.take(embed, cls.astype(jnp.int32), axis=0)

if __name__ == "__main__":
    import jax
    _d = setup_inputs()
    print(jax.jit(kernel)(*tuple(_d.values())))

</pallas_src>

<mosaic_0001>
#map = affine_map<(d0, d1) -> (0)>
#map1 = affine_map<(d0, d1) -> (0, 0)>
module attributes {stable_mosaic.version = 14 : i64} {
  func.func @_embed_lookup(%arg0: i32, %arg1: i32, %arg2: memref<16384xi32, #tpu.memory_space<hbm>>, %arg3: memref<50000x128xf32, #tpu.memory_space<hbm>>, %arg4: memref<64x16384xf32, #tpu.memory_space<hbm>>, %arg5: memref<512xi32, #tpu.memory_space<vmem>>, %arg6: memref<512xi32, #tpu.memory_space<vmem>>, %arg7: memref<512x128xf32, #tpu.memory_space<vmem>>, %arg8: memref<64x512xf32, #tpu.memory_space<vmem>>, %arg9: memref<!tpu.dma_semaphore, #tpu.memory_space<semaphore_mem>>) attributes {dimension_semantics = [#tpu.dimension_semantics<core_parallel>, #tpu.dimension_semantics<subcore_parallel>], iteration_bounds = array<i64: 2, 16>, scalar_prefetch = 0 : i64, scratch_operands = 5 : i64, tpu.core_type = #tpu.core_type<sc_vector_subcore>, window_params = [{transform_indices = #map}, {transform_indices = #map1}, {transform_indices = #map1}]} {
    %mul3A = arith.constant 2 : i32
    %mul3A_0 = arith.muli %arg1, %mul3A : i32
    %add3A = arith.addi %mul3A_0, %arg0 : i32
    %mul3A_1 = arith.constant 512 : i32
    %mul3A_2 = arith.muli %add3A, %mul3A_1 : i32
    %iota3A = tpu.iota {dimensions = array<i32: 0>} : vector<16xi32>
    "tpu.region"() ({
      %run_scoped3A = tpu.sem_alloc : memref<!tpu.dma_semaphore, #tpu.memory_space<semaphore_mem>>
      %dma_start3A_233 = tpu.memref_slice %arg2[%mul3A_2] : memref<16384xi32, #tpu.memory_space<hbm>> -> memref<512xi32, #tpu.memory_space<hbm>>
      %dma_start3A_234 = tpu.memref_slice %arg2[%mul3A_2] : memref<16384xi32, #tpu.memory_space<hbm>> -> memref<512xi32, #tpu.memory_space<hbm>>
      tpu.enqueue_dma source(%dma_start3A_234 : memref<512xi32, #tpu.memory_space<hbm>>) target(%arg5 : memref<512xi32, #tpu.memory_space<vmem>>) target_semaphore(%run_scoped3A : memref<!tpu.dma_semaphore, #tpu.memory_space<semaphore_mem>>)
      %dma_wait3A_235 = tpu.memref_slice %arg2[%mul3A_2] : memref<16384xi32, #tpu.memory_space<hbm>> -> memref<512xi32, #tpu.memory_space<hbm>>
      %dma_wait3A_236 = tpu.memref_slice %arg2[%mul3A_2] : memref<16384xi32, #tpu.memory_space<hbm>> -> memref<512xi32, #tpu.memory_space<hbm>>
      tpu.wait_dma2 semaphore(%run_scoped3A : memref<!tpu.dma_semaphore, #tpu.memory_space<semaphore_mem>>) src(%dma_wait3A_236 : memref<512xi32, #tpu.memory_space<hbm>>) dst(%arg5 : memref<512xi32, #tpu.memory_space<vmem>>)
      tpu.yield
    }) : () -> ()
    %get3A = arith.constant 0 : index
    %get3A_3 = tpu.vector_load %arg5[%get3A] {strides = array<i32>} : memref<512xi32, #tpu.memory_space<vmem>>, vector<16xi32>,
    %shift_right_arithmetic3A = arith.constant 1 : i32
    %shift_right_arithmetic3A_4 = vector.broadcast %shift_right_arithmetic3A : i32 to vector<16xi32>
    %shift_right_arithmetic3A_5 = arith.shrsi %get3A_3, %shift_right_arithmetic3A_4 : vector<16xi32>
    %swap3A = arith.constant 0 : index
    %swap3A_6 = tpu.vector_load %arg6[%swap3A] {strides = array<i32>} : memref<512xi32, #tpu.memory_space<vmem>>, vector<16xi32>,
    tpu.vector_store %arg6[%swap3A], %shift_right_arithmetic3A_5 {strides = array<i32>} : memref<512xi32, #tpu.memory_space<vmem>>, vector<16xi32>,
    %get3A_7 = arith.constant 16 : index
    %get3A_8 = tpu.vector_load %arg5[%get3A_7] {strides = array<i32>} : memref<512xi32, #tpu.memory_space<vmem>>, vector<16xi32>,
    %shift_right_arithmetic3A_9 = arith.constant 1 : i32
    %shift_right_arithmetic3A_10 = vector.broadcast %shift_right_arithmetic3A_9 : i32 to vector<16xi32>
    %shift_right_arithmetic3A_11 = arith.shrsi %get3A_8, %shift_right_arithmetic3A_10 : vector<16xi32>
    %swap3A_12 = arith.constant 16 : index
    %swap3A_13 = tpu.vector_load %arg6[%swap3A_12] {strides = array<i32>} : memref<512xi32, #tpu.memory_space<vmem>>, vector<16xi32>,
    tpu.vector_store %arg6[%swap3A_12], %shift_right_arithmetic3A_11 {strides = array<i32>} : memref<512xi32, #tpu.memory_space<vmem>>, vector<16xi32>,
    %get3A_14 = arith.constant 32 : index
    %get3A_15 = tpu.vector_load %arg5[%get3A_14] {strides = array<i32>} : memref<512xi32, #tpu.memory_space<vmem>>, vector<16xi32>,
    %shift_right_arithmetic3A_16 = arith.constant 1 : i32
    %shift_right_arithmetic3A_17 = vector.broadcast %shift_right_arithmetic3A_16 : i32 to vector<16xi32>
    %shift_right_arithmetic3A_18 = arith.shrsi %get3A_15, %shift_right_arithmetic3A_17 : vector<16xi32>
    %swap3A_19 = arith.constant 32 : index
    %swap3A_20 = tpu.vector_load %arg6[%swap3A_19] {strides = array<i32>} : memref<512xi32, #tpu.memory_space<vmem>>, vector<16xi32>,
    tpu.vector_store %arg6[%swap3A_19], %shift_right_arithmetic3A_18 {strides = array<i32>} : memref<512xi32, #tpu.memory_space<vmem>>, vector<16xi32>,
    %get3A_21 = arith.constant 48 : index
    %get3A_22 = tpu.vector_load %arg5[%get3A_21] {strides = array<i32>} : memref<512xi32, #tpu.memory_space<vmem>>, vector<16xi32>,
    %shift_right_arithmetic3A_23 = arith.constant 1 : i32
    %shift_right_arithmetic3A_24 = vector.broadcast %shift_right_arithmetic3A_23 : i32 to vector<16xi32>
    %shift_right_arithmetic3A_25 = arith.shrsi %get3A_22, %shift_right_arithmetic3A_24 : vector<16xi32>
    %swap3A_26 = arith.constant 48 : index
    %swap3A_27 = tpu.vector_load %arg6[%swap3A_26] {strides = array<i32>} : memref<512xi32, #tpu.memory_space<vmem>>, vector<16xi32>,
    tpu.vector_store %arg6[%swap3A_26], %shift_right_arithmetic3A_25 {strides = array<i32>} : memref<512xi32, #tpu.memory_space<vmem>>, vector<16xi32>,
    %get3A_28 = arith.constant 64 : index
    %get3A_29 = tpu.vector_load %arg5[%get3A_28] {strides = array<i32>} : memref<512xi32, #tpu.memory_space<vmem>>, vector<16xi32>,
    %shift_right_arithmetic3A_30 = arith.constant 1 : i32
    %shift_right_arithmetic3A_31 = vector.broadcast %shift_right_arithmetic3A_30 : i32 to vector<16xi32>
    %shift_right_arithmetic3A_32 = arith.shrsi %get3A_29, %shift_right_arithmetic3A_31 : vector<16xi32>
    %swap3A_33 = arith.constant 64 : index
    %swap3A_34 = tpu.vector_load %arg6[%swap3A_33] {strides = array<i32>} : memref<512xi32, #tpu.memory_space<vmem>>, vector<16xi32>,
    tpu.vector_store %arg6[%swap3A_33], %shift_right_arithmetic3A_32 {strides = array<i32>} : memref<512xi32, #tpu.memory_space<vmem>>, vector<16xi32>,
    %get3A_35 = arith.constant 80 : index
    %get3A_36 = tpu.vector_load %arg5[%get3A_35] {strides = array<i32>} : memref<512xi32, #tpu.memory_space<vmem>>, vector<16xi32>,
    %shift_right_arithmetic3A_37 = arith.constant 1 : i32
    %shift_right_arithmetic3A_38 = vector.broadcast %shift_right_arithmetic3A_37 : i32 to vector<16xi32>
    %shift_right_arithmetic3A_39 = arith.shrsi %get3A_36, %shift_right_arithmetic3A_38 : vector<16xi32>
    %swap3A_40 = arith.constant 80 : index
    %swap3A_41 = tpu.vector_load %arg6[%swap3A_40] {strides = array<i32>} : memref<512xi32, #tpu.memory_space<vmem>>, vector<16xi32>,
    tpu.vector_store %arg6[%swap3A_40], %shift_right_arithmetic3A_39 {strides = array<i32>} : memref<512xi32, #tpu.memory_space<vmem>>, vector<16xi32>,
    %get3A_42 = arith.constant 96 : index
    %get3A_43 = tpu.vector_load %arg5[%get3A_42] {strides = array<i32>} : memref<512xi32, #tpu.memory_space<vmem>>, vector<16xi32>,
    %shift_right_arithmetic3A_44 = arith.constant 1 : i32
    %shift_right_arithmetic3A_45 = vector.broadcast %shift_right_arithmetic3A_44 : i32 to vector<16xi32>
    %shift_right_arithmetic3A_46 = arith.shrsi %get3A_43, %shift_right_arithmetic3A_45 : vector<16xi32>
    %swap3A_47 = arith.constant 96 : index
    %swap3A_48 = tpu.vector_load %arg6[%swap3A_47] {strides = array<i32>} : memref<512xi32, #tpu.memory_space<vmem>>, vector<16xi32>,
    tpu.vector_store %arg6[%swap3A_47], %shift_right_arithmetic3A_46 {strides = array<i32>} : memref<512xi32, #tpu.memory_space<vmem>>, vector<16xi32>,
    %get3A_49 = arith.constant 112 : index
    %get3A_50 = tpu.vector_load %arg5[%get3A_49] {strides = array<i32>} : memref<512xi32, #tpu.memory_space<vmem>>, vector<16xi32>,
    %shift_right_arithmetic3A_51 = arith.constant 1 : i32
    %shift_right_arithmetic3A_52 = vector.broadcast %shift_right_arithmetic3A_51 : i32 to vector<16xi32>
    %shift_right_arithmetic3A_53 = arith.shrsi %get3A_50, %shift_right_arithmetic3A_52 : vector<16xi32>
    %swap3A_54 = arith.constant 112 : index
    %swap3A_55 = tpu.vector_load %arg6[%swap3A_54] {strides = array<i32>} : memref<512xi32, #tpu.memory_space<vmem>>, vector<16xi32>,
    tpu.vector_store %arg6[%swap3A_54], %shift_right_arithmetic3A_53 {strides = array<i32>} : memref<512xi32, #tpu.memory_space<vmem>>, vector<16xi32>,
    %get3A_56 = arith.constant 128 : index
    %get3A_57 = tpu.vector_load %arg5[%get3A_56] {strides = array<i32>} : memref<512xi32, #tpu.memory_space<vmem>>, vector<16xi32>,
    %shift_right_arithmetic3A_58 = arith.constant 1 : i32
    %shift_right_arithmetic3A_59 = vector.broadcast %shift_right_arithmetic3A_58 : i32 to vector<16xi32>
    %shift_right_arithmetic3A_60 = arith.shrsi %get3A_57, %shift_right_arithmetic3A_59 : vector<16xi32>
    %swap3A_61 = arith.constant 128 : index
    %swap3A_62 = tpu.vector_load %arg6[%swap3A_61] {strides = array<i32>} : memref<512xi32, #tpu.memory_space<vmem>>, vector<16xi32>,
    tpu.vector_store %arg6[%swap3A_61], %shift_right_arithmetic3A_60 {strides = array<i32>} : memref<512xi32, #tpu.memory_space<vmem>>, vector<16xi32>,
    %get3A_63 = arith.constant 144 : index
    %get3A_64 = tpu.vector_load %arg5[%get3A_63] {strides = array<i32>} : memref<512xi32, #tpu.memory_space<vmem>>, vector<16xi32>,
    %shift_right_arithmetic3A_65 = arith.constant 1 : i32
    %shift_right_arithmetic3A_66 = vector.broadcast %shift_right_arithmetic3A_65 : i32 to vector<16xi32>
    %shift_right_arithmetic3A_67 = arith.shrsi %get3A_64, %shift_right_arithmetic3A_66 : vector<16xi32>
    %swap3A_68 = arith.constant 144 : index
    %swap3A_69 = tpu.vector_load %arg6[%swap3A_68] {strides = array<i32>} : memref<512xi32, #tpu.memory_space<vmem>>, vector<16xi32>,
    tpu.vector_store %arg6[%swap3A_68], %shift_right_arithmetic3A_67 {strides = array<i32>} : memref<512xi32, #tpu.memory_space<vmem>>, vector<16xi32>,
    %get3A_70 = arith.constant 160 : index
    %get3A_71 = tpu.vector_load %arg5[%get3A_70] {strides = array<i32>} : memref<512xi32, #tpu.memory_space<vmem>>, vector<16xi32>,
    %shift_right_arithmetic3A_72 = arith.constant 1 : i32
    %shift_right_arithmetic3A_73 = vector.broadcast %shift_right_arithmetic3A_72 : i32 to vector<16xi32>
    %shift_right_arithmetic3A_74 = arith.shrsi %get3A_71, %shift_right_arithmetic3A_73 : vector<16xi32>
    %swap3A_75 = arith.constant 160 : index
    %swap3A_76 = tpu.vector_load %arg6[%swap3A_75] {strides = array<i32>} : memref<512xi32, #tpu.memory_space<vmem>>, vector<16xi32>,
    tpu.vector_store %arg6[%swap3A_75], %shift_right_arithmetic3A_74 {strides = array<i32>} : memref<512xi32, #tpu.memory_space<vmem>>, vector<16xi32>,
    %get3A_77 = arith.constant 176 : index
    %get3A_78 = tpu.vector_load %arg5[%get3A_77] {strides = array<i32>} : memref<512xi32, #tpu.memory_space<vmem>>, vector<16xi32>,
    %shift_right_arithmetic3A_79 = arith.constant 1 : i32
    %shift_right_arithmetic3A_80 = vector.broadcast %shift_right_arithmetic3A_79 : i32 to vector<16xi32>
    %shift_right_arithmetic3A_81 = arith.shrsi %get3A_78, %shift_right_arithmetic3A_80 : vector<16xi32>
    %swap3A_82 = arith.constant 176 : index
    %swap3A_83 = tpu.vector_load %arg6[%swap3A_82] {strides = array<i32>} : memref<512xi32, #tpu.memory_space<vmem>>, vector<16xi32>,
    tpu.vector_store %arg6[%swap3A_82], %shift_right_arithmetic3A_81 {strides = array<i32>} : memref<512xi32, #tpu.memory_space<vmem>>, vector<16xi32>,
    %get3A_84 = arith.constant 192 : index
    %get3A_85 = tpu.vector_load %arg5[%get3A_84] {strides = array<i32>} : memref<512xi32, #tpu.memory_space<vmem>>, vector<16xi32>,
    %shift_right_arithmetic3A_86 = arith.constant 1 : i32
    %shift_right_arithmetic3A_87 = vector.broadcast %shift_right_arithmetic3A_86 : i32 to vector<16xi32>
    %shift_right_arithmetic3A_88 = arith.shrsi %get3A_85, %shift_right_arithmetic3A_87 : vector<16xi32>
    %swap3A_89 = arith.constant 192 : index
    %swap3A_90 = tpu.vector_load %arg6[%swap3A_89] {strides = array<i32>} : memref<512xi32, #tpu.memory_space<vmem>>, vector<16xi32>,
    tpu.vector_store %arg6[%swap3A_89], %shift_right_arithmetic3A_88 {strides = array<i32>} : memref<512xi32, #tpu.memory_space<vmem>>, vector<16xi32>,
    %get3A_91 = arith.constant 208 : index
    %get3A_92 = tpu.vector_load %arg5[%get3A_91] {strides = array<i32>} : memref<512xi32, #tpu.memory_space<vmem>>, vector<16xi32>,
    %shift_right_arithmetic3A_93 = arith.constant 1 : i32
    %shift_right_arithmetic3A_94 = vector.broadcast %shift_right_arithmetic3A_93 : i32 to vector<16xi32>
    %shift_right_arithmetic3A_95 = arith.shrsi %get3A_92, %shift_right_arithmetic3A_94 : vector<16xi32>
    %swap3A_96 = arith.constant 208 : index
    %swap3A_97 = tpu.vector_load %arg6[%swap3A_96] {strides = array<i32>} : memref<512xi32, #tpu.memory_space<vmem>>, vector<16xi32>,
    tpu.vector_store %arg6[%swap3A_96], %shift_right_arithmetic3A_95 {strides = array<i32>} : memref<512xi32, #tpu.memory_space<vmem>>, vector<16xi32>,
    %get3A_98 = arith.constant 224 : index
    %get3A_99 = tpu.vector_load %arg5[%get3A_98] {strides = array<i32>} : memref<512xi32, #tpu.memory_space<vmem>>, vector<16xi32>,
    %shift_right_arithmetic3A_100 = arith.constant 1 : i32
    %shift_right_arithmetic3A_101 = vector.broadcast %shift_right_arithmetic3A_100 : i32 to vector<16xi32>
    %shift_right_arithmetic3A_102 = arith.shrsi %get3A_99, %shift_right_arithmetic3A_101 : vector<16xi32>
    %swap3A_103 = arith.constant 224 : index
    %swap3A_104 = tpu.vector_load %arg6[%swap3A_103] {strides = array<i32>} : memref<512xi32, #tpu.memory_space<vmem>>, vector<16xi32>,
    tpu.vector_store %arg6[%swap3A_103], %shift_right_arithmetic3A_102 {strides = array<i32>} : memref<512xi32, #tpu.memory_space<vmem>>, vector<16xi32>,
    %get3A_105 = arith.constant 240 : index
    %get3A_106 = tpu.vector_load %arg5[%get3A_105] {strides = array<i32>} : memref<512xi32, #tpu.memory_space<vmem>>, vector<16xi32>,
    %shift_right_arithmetic3A_107 = arith.constant 1 : i32
    %shift_right_arithmetic3A_108 = vector.broadcast %shift_right_arithmetic3A_107 : i32 to vector<16xi32>
    %shift_right_arithmetic3A_109 = arith.shrsi %get3A_106, %shift_right_arithmetic3A_108 : vector<16xi32>
    %swap3A_110 = arith.constant 240 : index
    %swap3A_111 = tpu.vector_load %arg6[%swap3A_110] {strides = array<i32>} : memref<512xi32, #tpu.memory_space<vmem>>, vector<16xi32>,
    tpu.vector_store %arg6[%swap3A_110], %shift_right_arithmetic3A_109 {strides = array<i32>} : memref<512xi32, #tpu.memory_space<vmem>>, vector<16xi32>,
    %get3A_112 = arith.constant 256 : index
    %get3A_113 = tpu.vector_load %arg5[%get3A_112] {strides = array<i32>} : memref<512xi32, #tpu.memory_space<vmem>>, vector<16xi32>,
    %shift_right_arithmetic3A_114 = arith.constant 1 : i32
    %shift_right_arithmetic3A_115 = vector.broadcast %shift_right_arithmetic3A_114 : i32 to vector<16xi32>
    %shift_right_arithmetic3A_116 = arith.shrsi %get3A_113, %shift_right_arithmetic3A_115 : vector<16xi32>
    %swap3A_117 = arith.constant 256 : index
    %swap3A_118 = tpu.vector_load %arg6[%swap3A_117] {strides = array<i32>} : memref<512xi32, #tpu.memory_space<vmem>>, vector<16xi32>,
    tpu.vector_store %arg6[%swap3A_117], %shift_right_arithmetic3A_116 {strides = array<i32>} : memref<512xi32, #tpu.memory_space<vmem>>, vector<16xi32>,
    %get3A_119 = arith.constant 272 : index
    %get3A_120 = tpu.vector_load %arg5[%get3A_119] {strides = array<i32>} : memref<512xi32, #tpu.memory_space<vmem>>, vector<16xi32>,
    %shift_right_arithmetic3A_121 = arith.constant 1 : i32
    %shift_right_arithmetic3A_122 = vector.broadcast %shift_right_arithmetic3A_121 : i32 to vector<16xi32>
    %shift_right_arithmetic3A_123 = arith.shrsi %get3A_120, %shift_right_arithmetic3A_122 : vector<16xi32>
    %swap3A_124 = arith.constant 272 : index
    %swap3A_125 = tpu.vector_load %arg6[%swap3A_124] {strides = array<i32>} : memref<512xi32, #tpu.memory_space<vmem>>, vector<16xi32>,
    tpu.vector_store %arg6[%swap3A_124], %shift_right_arithmetic3A_123 {strides = array<i32>} : memref<512xi32, #tpu.memory_space<vmem>>, vector<16xi32>,
    %get3A_126 = arith.constant 288 : index
    %get3A_127 = tpu.vector_load %arg5[%get3A_126] {strides = array<i32>} : memref<512xi32, #tpu.memory_space<vmem>>, vector<16xi32>,
    %shift_right_arithmetic3A_128 = arith.constant 1 : i32
    %shift_right_arithmetic3A_129 = vector.broadcast %shift_right_arithmetic3A_128 : i32 to vector<16xi32>
    %shift_right_arithmetic3A_130 = arith.shrsi %get3A_127, %shift_right_arithmetic3A_129 : vector<16xi32>
    %swap3A_131 = arith.constant 288 : index
    %swap3A_132 = tpu.vector_load %arg6[%swap3A_131] {strides = array<i32>} : memref<512xi32, #tpu.memory_space<vmem>>, vector<16xi32>,
    tpu.vector_store %arg6[%swap3A_131], %shift_right_arithmetic3A_130 {strides = array<i32>} : memref<512xi32, #tpu.memory_space<vmem>>, vector<16xi32>,
    %get3A_133 = arith.constant 304 : index
    %get3A_134 = tpu.vector_load %arg5[%get3A_133] {strides = array<i32>} : memref<512xi32, #tpu.memory_space<vmem>>, vector<16xi32>,
    %shift_right_arithmetic3A_135 = arith.constant 1 : i32
    %shift_right_arithmetic3A_136 = vector.broadcast %shift_right_arithmetic3A_135 : i32 to vector<16xi32>
    %shift_right_arithmetic3A_137 = arith.shrsi %get3A_134, %shift_right_arithmetic3A_136 : vector<16xi32>
    %swap3A_138 = arith.constant 304 : index
    %swap3A_139 = tpu.vector_load %arg6[%swap3A_138] {strides = array<i32>} : memref<512xi32, #tpu.memory_space<vmem>>, vector<16xi32>,
    tpu.vector_store %arg6[%swap3A_138], %shift_right_arithmetic3A_137 {strides = array<i32>} : memref<512xi32, #tpu.memory_space<vmem>>, vector<16xi32>,
    %get3A_140 = arith.constant 320 : index
    %get3A_141 = tpu.vector_load %arg5[%get3A_140] {strides = array<i32>} : memref<512xi32, #tpu.memory_space<vmem>>, vector<16xi32>,
    %shift_right_arithmetic3A_142 = arith.constant 1 : i32
    %shift_right_arithmetic3A_143 = vector.broadcast %shift_right_arithmetic3A_142 : i32 to vector<16xi32>
    %shift_right_arithmetic3A_144 = arith.shrsi %get3A_141, %shift_right_arithmetic3A_143 : vector<16xi32>
    %swap3A_145 = arith.constant 320 : index
    %swap3A_146 = tpu.vector_load %arg6[%swap3A_145] {strides = array<i32>} : memref<512xi32, #tpu.memory_space<vmem>>, vector<16xi32>,
    tpu.vector_store %arg6[%swap3A_145], %shift_right_arithmetic3A_144 {strides = array<i32>} : memref<512xi32, #tpu.memory_space<vmem>>, vector<16xi32>,
    %get3A_147 = arith.constant 336 : index
    %get3A_148 = tpu.vector_load %arg5[%get3A_147] {strides = array<i32>} : memref<512xi32, #tpu.memory_space<vmem>>, vector<16xi32>,
    %shift_right_arithmetic3A_149 = arith.constant 1 : i32
    %shift_right_arithmetic3A_150 = vector.broadcast %shift_right_arithmetic3A_149 : i32 to vector<16xi32>
    %shift_right_arithmetic3A_151 = arith.shrsi %get3A_148, %shift_right_arithmetic3A_150 : vector<16xi32>
    %swap3A_152 = arith.constant 336 : index
    %swap3A_153 = tpu.vector_load %arg6[%swap3A_152] {strides = array<i32>} : memref<512xi32, #tpu.memory_space<vmem>>, vector<16xi32>,
    tpu.vector_store %arg6[%swap3A_152], %shift_right_arithmetic3A_151 {strides = array<i32>} : memref<512xi32, #tpu.memory_space<vmem>>, vector<16xi32>,
    %get3A_154 = arith.constant 352 : index
    %get3A_155 = tpu.vector_load %arg5[%get3A_154] {strides = array<i32>} : memref<512xi32, #tpu.memory_space<vmem>>, vector<16xi32>,
    %shift_right_arithmetic3A_156 = arith.constant 1 : i32
    %shift_right_arithmetic3A_157 = vector.broadcast %shift_right_arithmetic3A_156 : i32 to vector<16xi32>
    %shift_right_arithmetic3A_158 = arith.shrsi %get3A_155, %shift_right_arithmetic3A_157 : vector<16xi32>
    %swap3A_159 = arith.constant 352 : index
    %swap3A_160 = tpu.vector_load %arg6[%swap3A_159] {strides = array<i32>} : memref<512xi32, #tpu.memory_space<vmem>>, vector<16xi32>,
    tpu.vector_store %arg6[%swap3A_159], %shift_right_arithmetic3A_158 {strides = array<i32>} : memref<512xi32, #tpu.memory_space<vmem>>, vector<16xi32>,
    %get3A_161 = arith.constant 368 : index
    %get3A_162 = tpu.vector_load %arg5[%get3A_161] {strides = array<i32>} : memref<512xi32, #tpu.memory_space<vmem>>, vector<16xi32>,
    %shift_right_arithmetic3A_163 = arith.constant 1 : i32
    %shift_right_arithmetic3A_164 = vector.broadcast %shift_right_arithmetic3A_163 : i32 to vector<16xi32>
    %shift_right_arithmetic3A_165 = arith.shrsi %get3A_162, %shift_right_arithmetic3A_164 : vector<16xi32>
    %swap3A_166 = arith.constant 368 : index
    %swap3A_167 = tpu.vector_load %arg6[%swap3A_166] {strides = array<i32>} : memref<512xi32, #tpu.memory_space<vmem>>, vector<16xi32>,
    tpu.vector_store %arg6[%swap3A_166], %shift_right_arithmetic3A_165 {strides = array<i32>} : memref<512xi32, #tpu.memory_space<vmem>>, vector<16xi32>,
    %get3A_168 = arith.constant 384 : index
    %get3A_169 = tpu.vector_load %arg5[%get3A_168] {strides = array<i32>} : memref<512xi32, #tpu.memory_space<vmem>>, vector<16xi32>,
    %shift_right_arithmetic3A_170 = arith.constant 1 : i32
    %shift_right_arithmetic3A_171 = vector.broadcast %shift_right_arithmetic3A_170 : i32 to vector<16xi32>
    %shift_right_arithmetic3A_172 = arith.shrsi %get3A_169, %shift_right_arithmetic3A_171 : vector<16xi32>
    %swap3A_173 = arith.constant 384 : index
    %swap3A_174 = tpu.vector_load %arg6[%swap3A_173] {strides = array<i32>} : memref<512xi32, #tpu.memory_space<vmem>>, vector<16xi32>,
    tpu.vector_store %arg6[%swap3A_173], %shift_right_arithmetic3A_172 {strides = array<i32>} : memref<512xi32, #tpu.memory_space<vmem>>, vector<16xi32>,
    %get3A_175 = arith.constant 400 : index
    %get3A_176 = tpu.vector_load %arg5[%get3A_175] {strides = array<i32>} : memref<512xi32, #tpu.memory_space<vmem>>, vector<16xi32>,
    %shift_right_arithmetic3A_177 = arith.constant 1 : i32
    %shift_right_arithmetic3A_178 = vector.broadcast %shift_right_arithmetic3A_177 : i32 to vector<16xi32>
    %shift_right_arithmetic3A_179 = arith.shrsi %get3A_176, %shift_right_arithmetic3A_178 : vector<16xi32>
    %swap3A_180 = arith.constant 400 : index
    %swap3A_181 = tpu.vector_load %arg6[%swap3A_180] {strides = array<i32>} : memref<512xi32, #tpu.memory_space<vmem>>, vector<16xi32>,
    tpu.vector_store %arg6[%swap3A_180], %shift_right_arithmetic3A_179 {strides = array<i32>} : memref<512xi32, #tpu.memory_space<vmem>>, vector<16xi32>,
    %get3A_182 = arith.constant 416 : index
    %get3A_183 = tpu.vector_load %arg5[%get3A_182] {strides = array<i32>} : memref<512xi32, #tpu.memory_space<vmem>>, vector<16xi32>,
    %shift_right_arithmetic3A_184 = arith.constant 1 : i32
    %shift_right_arithmetic3A_185 = vector.broadcast %shift_right_arithmetic3A_184 : i32 to vector<16xi32>
    %shift_right_arithmetic3A_186 = arith.shrsi %get3A_183, %shift_right_arithmetic3A_185 : vector<16xi32>
    %swap3A_187 = arith.constant 416 : index
    %swap3A_188 = tpu.vector_load %arg6[%swap3A_187] {strides = array<i32>} : memref<512xi32, #tpu.memory_space<vmem>>, vector<16xi32>,
    tpu.vector_store %arg6[%swap3A_187], %shift_right_arithmetic3A_186 {strides = array<i32>} : memref<512xi32, #tpu.memory_space<vmem>>, vector<16xi32>,
    %get3A_189 = arith.constant 432 : index
    %get3A_190 = tpu.vector_load %arg5[%get3A_189] {strides = array<i32>} : memref<512xi32, #tpu.memory_space<vmem>>, vector<16xi32>,
    %shift_right_arithmetic3A_191 = arith.constant 1 : i32
    %shift_right_arithmetic3A_192 = vector.broadcast %shift_right_arithmetic3A_191 : i32 to vector<16xi32>
    %shift_right_arithmetic3A_193 = arith.shrsi %get3A_190, %shift_right_arithmetic3A_192 : vector<16xi32>
    %swap3A_194 = arith.constant 432 : index
    %swap3A_195 = tpu.vector_load %arg6[%swap3A_194] {strides = array<i32>} : memref<512xi32, #tpu.memory_space<vmem>>, vector<16xi32>,
    tpu.vector_store %arg6[%swap3A_194], %shift_right_arithmetic3A_193 {strides = array<i32>} : memref<512xi32, #tpu.memory_space<vmem>>, vector<16xi32>,
    %get3A_196 = arith.constant 448 : index
    %get3A_197 = tpu.vector_load %arg5[%get3A_196] {strides = array<i32>} : memref<512xi32, #tpu.memory_space<vmem>>, vector<16xi32>,
    %shift_right_arithmetic3A_198 = arith.constant 1 : i32
    %shift_right_arithmetic3A_199 = vector.broadcast %shift_right_arithmetic3A_198 : i32 to vector<16xi32>
    %shift_right_arithmetic3A_200 = arith.shrsi %get3A_197, %shift_right_arithmetic3A_199 : vector<16xi32>
    %swap3A_201 = arith.constant 448 : index
    %swap3A_202 = tpu.vector_load %arg6[%swap3A_201] {strides = array<i32>} : memref<512xi32, #tpu.memory_space<vmem>>, vector<16xi32>,
    tpu.vector_store %arg6[%swap3A_201], %shift_right_arithmetic3A_200 {strides = array<i32>} : memref<512xi32, #tpu.memory_space<vmem>>, vector<16xi32>,
    %get3A_203 = arith.constant 464 : index
    %get3A_204 = tpu.vector_load %arg5[%get3A_203] {strides = array<i32>} : memref<512xi32, #tpu.memory_space<vmem>>, vector<16xi32>,
    %shift_right_arithmetic3A_205 = arith.constant 1 : i32
    %shift_right_arithmetic3A_206 = vector.broadcast %shift_right_arithmetic3A_205 : i32 to vector<16xi32>
    %shift_right_arithmetic3A_207 = arith.shrsi %get3A_204, %shift_right_arithmetic3A_206 : vector<16xi32>
    %swap3A_208 = arith.constant 464 : index
    %swap3A_209 = tpu.vector_load %arg6[%swap3A_208] {strides = array<i32>} : memref<512xi32, #tpu.memory_space<vmem>>, vector<16xi32>,
    tpu.vector_store %arg6[%swap3A_208], %shift_right_arithmetic3A_207 {strides = array<i32>} : memref<512xi32, #tpu.memory_space<vmem>>, vector<16xi32>,
    %get3A_210 = arith.constant 480 : index
    %get3A_211 = tpu.vector_load %arg5[%get3A_210] {strides = array<i32>} : memref<512xi32, #tpu.memory_space<vmem>>, vector<16xi32>,
    %shift_right_arithmetic3A_212 = arith.constant 1 : i32
    %shift_right_arithmetic3A_213 = vector.broadcast %shift_right_arithmetic3A_212 : i32 to vector<16xi32>
    %shift_right_arithmetic3A_214 = arith.shrsi %get3A_211, %shift_right_arithmetic3A_213 : vector<16xi32>
    %swap3A_215 = arith.constant 480 : index
    %swap3A_216 = tpu.vector_load %arg6[%swap3A_215] {strides = array<i32>} : memref<512xi32, #tpu.memory_space<vmem>>, vector<16xi32>,
    tpu.vector_store %arg6[%swap3A_215], %shift_right_arithmetic3A_214 {strides = array<i32>} : memref<512xi32, #tpu.memory_space<vmem>>, vector<16xi32>,
    %get3A_217 = arith.constant 496 : index
    %get3A_218 = tpu.vector_load %arg5[%get3A_217] {strides = array<i32>} : memref<512xi32, #tpu.memory_space<vmem>>, vector<16xi32>,
    %shift_right_arithmetic3A_219 = arith.constant 1 : i32
    %shift_right_arithmetic3A_220 = vector.broadcast %shift_right_arithmetic3A_219 : i32 to vector<16xi32>
    %shift_right_arithmetic3A_221 = arith.shrsi %get3A_218, %shift_right_arithmetic3A_220 : vector<16xi32>
    %swap3A_222 = arith.constant 496 : index
    %swap3A_223 = tpu.vector_load %arg6[%swap3A_222] {strides = array<i32>} : memref<512xi32, #tpu.memory_space<vmem>>, vector<16xi32>,
    tpu.vector_store %arg6[%swap3A_222], %shift_right_arithmetic3A_221 {strides = array<i32>} : memref<512xi32, #tpu.memory_space<vmem>>, vector<16xi32>,
    %dma_start3A = arith.constant 0 : i32
    %dma_start3A_224 = arith.constant 0 : i32
    %dma_start3A_225 = tpu.memref_slice %arg3[%dma_start3A, %dma_start3A_224] : memref<50000x128xf32, #tpu.memory_space<hbm>> -> memref<50000x128xf32, #tpu.memory_space<hbm>>
    tpu.enqueue_indirect_dma source(%dma_start3A_225 : memref<50000x128xf32, #tpu.memory_space<hbm>>) target(%arg7 : memref<512x128xf32, #tpu.memory_space<vmem>>) offsets(%arg6 : memref<512xi32, #tpu.memory_space<vmem>>) semaphore(%arg9 : memref<!tpu.dma_semaphore, #tpu.memory_space<semaphore_mem>>)
    %dma_wait3A = arith.constant 0 : i32
    %dma_wait3A_226 = arith.constant 0 : i32
    %dma_wait3A_227 = tpu.memref_slice %arg3[%dma_wait3A, %dma_wait3A_226] : memref<50000x128xf32, #tpu.memory_space<hbm>> -> memref<50000x128xf32, #tpu.memory_space<hbm>>
    tpu.wait_indirect_dma semaphore(%arg9 : memref<!tpu.dma_semaphore, #tpu.memory_space<semaphore_mem>>) src(%dma_wait3A_227 : memref<50000x128xf32, #tpu.memory_space<hbm>>) dst(%arg7 : memref<512x128xf32, #tpu.memory_space<vmem>>)
    %scan3A = arith.constant 0 : i32
    %scan3A_228 = arith.constant 0 : i32
    %scan3A_229 = arith.constant 32 : i32
    %scan3A_230 = arith.addi %scan3A_228, %scan3A_229 : i32
    %scan3A_231 = arith.constant 1 : i32
    scf.for %scan3A_233 = %scan3A_228 to %scan3A_230 step %scan3A_231  : i32 {
      %mul3A_234 = arith.constant 16 : i32
      %mul3A_235 = arith.muli %scan3A_233, %mul3A_234 : i32
      %add3A_236 = vector.broadcast %mul3A_235 : i32 to vector<16xi32>
      %add3A_237 = arith.addi %add3A_236, %iota3A : vector<16xi32>
      %mul3A_238 = arith.constant 16 : i32
      %mul3A_239 = arith.muli %scan3A_233, %mul3A_238 : i32
      %get3A_240 = arith.index_cast %mul3A_239 : i32 to index
      %get3A_241 = tpu.vector_load %arg5[%get3A_240] {strides = array<i32>} : memref<512xi32, #tpu.memory_space<vmem>>, vector<16xi32>,
      %and3A = arith.constant 1 : i32
      %and3A_242 = vector.broadcast %and3A : i32 to vector<16xi32>
      %and3A_243 = arith.andi %get3A_241, %and3A_242 : vector<16xi32>
      %mul3A_244 = arith.constant 64 : i32
      %mul3A_245 = vector.broadcast %mul3A_244 : i32 to vector<16xi32>
      %mul3A_246 = arith.muli %and3A_243, %mul3A_245 : vector<16xi32>
      %mul3A_247 = arith.constant 16 : i32
      %mul3A_248 = arith.muli %scan3A_233, %mul3A_247 : i32
      %add3A_249 = vector.broadcast %mul3A_248 : i32 to vector<16xi32>
      %add3A_250 = arith.addi %add3A_249, %iota3A : vector<16xi32>
      %add3A_251 = arith.constant 0 : i32
      %add3A_252 = vector.broadcast %add3A_251 : i32 to vector<16xi32>
      %add3A_253 = arith.addi %iota3A, %add3A_252 : vector<16xi32>
      %and3A_254 = arith.constant 15 : i32
      %and3A_255 = vector.broadcast %and3A_254 : i32 to vector<16xi32>
      %and3A_256 = arith.andi %add3A_253, %and3A_255 : vector<16xi32>
      %add3A_257 = arith.constant 0 : i32
      %add3A_258 = vector.broadcast %add3A_257 : i32 to vector<16xi32>
      %add3A_259 = arith.addi %add3A_258, %and3A_256 : vector<16xi32>
      %add3A_260 = arith.addi %mul3A_246, %add3A_259 : vector<16xi32>
      %gather3A = tpu.vector_load_idx %arg7[%add3A_237, %add3A_260] : memref<512x128xf32, #tpu.memory_space<vmem>>[vector<16xi32>, vector<16xi32>], vector<16xf32>,
      tpu.vector_store_idx %arg8[%add3A_259, %add3A_250], %gather3A : memref<64x512xf32, #tpu.memory_space<vmem>>[vector<16xi32>, vector<16xi32>], vector<16xf32>,
      %add3A_261 = arith.constant 16 : i32
      %add3A_262 = vector.broadcast %add3A_261 : i32 to vector<16xi32>
      %add3A_263 = arith.addi %add3A_262, %and3A_256 : vector<16xi32>
      %add3A_264 = arith.addi %mul3A_246, %add3A_263 : vector<16xi32>
      %gather3A_265 = tpu.vector_load_idx %arg7[%add3A_237, %add3A_264] : memref<512x128xf32, #tpu.memory_space<vmem>>[vector<16xi32>, vector<16xi32>], vector<16xf32>,
      tpu.vector_store_idx %arg8[%add3A_263, %add3A_250], %gather3A_265 : memref<64x512xf32, #tpu.memory_space<vmem>>[vector<16xi32>, vector<16xi32>], vector<16xf32>,
      %add3A_266 = arith.constant 32 : i32
      %add3A_267 = vector.broadcast %add3A_266 : i32 to vector<16xi32>
      %add3A_268 = arith.addi %add3A_267, %and3A_256 : vector<16xi32>
      %add3A_269 = arith.addi %mul3A_246, %add3A_268 : vector<16xi32>
      %gather3A_270 = tpu.vector_load_idx %arg7[%add3A_237, %add3A_269] : memref<512x128xf32, #tpu.memory_space<vmem>>[vector<16xi32>, vector<16xi32>], vector<16xf32>,
      tpu.vector_store_idx %arg8[%add3A_268, %add3A_250], %gather3A_270 : memref<64x512xf32, #tpu.memory_space<vmem>>[vector<16xi32>, vector<16xi32>], vector<16xf32>,
      %add3A_271 = arith.constant 48 : i32
      %add3A_272 = vector.broadcast %add3A_271 : i32 to vector<16xi32>
      %add3A_273 = arith.addi %add3A_272, %and3A_256 : vector<16xi32>
      %add3A_274 = arith.addi %mul3A_246, %add3A_273 : vector<16xi32>
      %gather3A_275 = tpu.vector_load_idx %arg7[%add3A_237, %add3A_274] : memref<512x128xf32, #tpu.memory_space<vmem>>[vector<16xi32>, vector<16xi32>], vector<16xf32>,
      tpu.vector_store_idx %arg8[%add3A_273, %add3A_250], %gather3A_275 : memref<64x512xf32, #tpu.memory_space<vmem>>[vector<16xi32>, vector<16xi32>], vector<16xf32>,
      %add3A_276 = arith.constant 1 : i32
      %add3A_277 = vector.broadcast %add3A_276 : i32 to vector<16xi32>
      %add3A_278 = arith.addi %iota3A, %add3A_277 : vector<16xi32>
      %and3A_279 = arith.constant 15 : i32
      %and3A_280 = vector.broadcast %and3A_279 : i32 to vector<16xi32>
      %and3A_281 = arith.andi %add3A_278, %and3A_280 : vector<16xi32>
      %add3A_282 = arith.constant 0 : i32
      %add3A_283 = vector.broadcast %add3A_282 : i32 to vector<16xi32>
      %add3A_284 = arith.addi %add3A_283, %and3A_281 : vector<16xi32>
      %add3A_285 = arith.addi %mul3A_246, %add3A_284 : vector<16xi32>
      %gather3A_286 = tpu.vector_load_idx %arg7[%add3A_237, %add3A_285] : memref<512x128xf32, #tpu.memory_space<vmem>>[vector<16xi32>, vector<16xi32>], vector<16xf32>,
      tpu.vector_store_idx %arg8[%add3A_284, %add3A_250], %gather3A_286 : memref<64x512xf32, #tpu.memory_space<vmem>>[vector<16xi32>, vector<16xi32>], vector<16xf32>,
      %add3A_287 = arith.constant 16 : i32
      %add3A_288 = vector.broadcast %add3A_287 : i32 to vector<16xi32>
      %add3A_289 = arith.addi %add3A_288, %and3A_281 : vector<16xi32>
      %add3A_290 = arith.addi %mul3A_246, %add3A_289 : vector<16xi32>
      %gather3A_291 = tpu.vector_load_idx %arg7[%add3A_237, %add3A_290] : memref<512x128xf32, #tpu.memory_space<vmem>>[vector<16xi32>, vector<16xi32>], vector<16xf32>,
      tpu.vector_store_idx %arg8[%add3A_289, %add3A_250], %gather3A_291 : memref<64x512xf32, #tpu.memory_space<vmem>>[vector<16xi32>, vector<16xi32>], vector<16xf32>,
      %add3A_292 = arith.constant 32 : i32
      %add3A_293 = vector.broadcast %add3A_292 : i32 to vector<16xi32>
      %add3A_294 = arith.addi %add3A_293, %and3A_281 : vector<16xi32>
      %add3A_295 = arith.addi %mul3A_246, %add3A_294 : vector<16xi32>
      %gather3A_296 = tpu.vector_load_idx %arg7[%add3A_237, %add3A_295] : memref<512x128xf32, #tpu.memory_space<vmem>>[vector<16xi32>, vector<16xi32>], vector<16xf32>,
      tpu.vector_store_idx %arg8[%add3A_294, %add3A_250], %gather3A_296 : memref<64x512xf32, #tpu.memory_space<vmem>>[vector<16xi32>, vector<16xi32>], vector<16xf32>,
      %add3A_297 = arith.constant 48 : i32
      %add3A_298 = vector.broadcast %add3A_297 : i32 to vector<16xi32>
      %add3A_299 = arith.addi %add3A_298, %and3A_281 : vector<16xi32>
      %add3A_300 = arith.addi %mul3A_246, %add3A_299 : vector<16xi32>
      %gather3A_301 = tpu.vector_load_idx %arg7[%add3A_237, %add3A_300] : memref<512x128xf32, #tpu.memory_space<vmem>>[vector<16xi32>, vector<16xi32>], vector<16xf32>,
      tpu.vector_store_idx %arg8[%add3A_299, %add3A_250], %gather3A_301 : memref<64x512xf32, #tpu.memory_space<vmem>>[vector<16xi32>, vector<16xi32>], vector<16xf32>,
      %add3A_302 = arith.constant 2 : i32
      %add3A_303 = vector.broadcast %add3A_302 : i32 to vector<16xi32>
      %add3A_304 = arith.addi %iota3A, %add3A_303 : vector<16xi32>
      %and3A_305 = arith.constant 15 : i32
      %and3A_306 = vector.broadcast %and3A_305 : i32 to vector<16xi32>
      %and3A_307 = arith.andi %add3A_304, %and3A_306 : vector<16xi32>
      %add3A_308 = arith.constant 0 : i32
      %add3A_309 = vector.broadcast %add3A_308 : i32 to vector<16xi32>
      %add3A_310 = arith.addi %add3A_309, %and3A_307 : vector<16xi32>
      %add3A_311 = arith.addi %mul3A_246, %add3A_310 : vector<16xi32>
      %gather3A_312 = tpu.vector_load_idx %arg7[%add3A_237, %add3A_311] : memref<512x128xf32, #tpu.memory_space<vmem>>[vector<16xi32>, vector<16xi32>], vector<16xf32>,
      tpu.vector_store_idx %arg8[%add3A_310, %add3A_250], %gather3A_312 : memref<64x512xf32, #tpu.memory_space<vmem>>[vector<16xi32>, vector<16xi32>], vector<16xf32>,
      %add3A_313 = arith.constant 16 : i32
      %add3A_314 = vector.broadcast %add3A_313 : i32 to vector<16xi32>
      %add3A_315 = arith.addi %add3A_314, %and3A_307 : vector<16xi32>
      %add3A_316 = arith.addi %mul3A_246, %add3A_315 : vector<16xi32>
      %gather3A_317 = tpu.vector_load_idx %arg7[%add3A_237, %add3A_316] : memref<512x128xf32, #tpu.memory_space<vmem>>[vector<16xi32>, vector<16xi32>], vector<16xf32>,
      tpu.vector_store_idx %arg8[%add3A_315, %add3A_250], %gather3A_317 : memref<64x512xf32, #tpu.memory_space<vmem>>[vector<16xi32>, vector<16xi32>], vector<16xf32>,
      %add3A_318 = arith.constant 32 : i32
      %add3A_319 = vector.broadcast %add3A_318 : i32 to vector<16xi32>
      %add3A_320 = arith.addi %add3A_319, %and3A_307 : vector<16xi32>
      %add3A_321 = arith.addi %mul3A_246, %add3A_320 : vector<16xi32>
      %gather3A_322 = tpu.vector_load_idx %arg7[%add3A_237, %add3A_321] : memref<512x128xf32, #tpu.memory_space<vmem>>[vector<16xi32>, vector<16xi32>], vector<16xf32>,
      tpu.vector_store_idx %arg8[%add3A_320, %add3A_250], %gather3A_322 : memref<64x512xf32, #tpu.memory_space<vmem>>[vector<16xi32>, vector<16xi32>], vector<16xf32>,
      %add3A_323 = arith.constant 48 : i32
      %add3A_324 = vector.broadcast %add3A_323 : i32 to vector<16xi32>
      %add3A_325 = arith.addi %add3A_324, %and3A_307 : vector<16xi32>
      %add3A_326 = arith.addi %mul3A_246, %add3A_325 : vector<16xi32>
      %gather3A_327 = tpu.vector_load_idx %arg7[%add3A_237, %add3A_326] : memref<512x128xf32, #tpu.memory_space<vmem>>[vector<16xi32>, vector<16xi32>], vector<16xf32>,
      tpu.vector_store_idx %arg8[%add3A_325, %add3A_250], %gather3A_327 : memref<64x512xf32, #tpu.memory_space<vmem>>[vector<16xi32>, vector<16xi32>], vector<16xf32>,
      %add3A_328 = arith.constant 3 : i32
      %add3A_329 = vector.broadcast %add3A_328 : i32 to vector<16xi32>
      %add3A_330 = arith.addi %iota3A, %add3A_329 : vector<16xi32>
      %and3A_331 = arith.constant 15 : i32
      %and3A_332 = vector.broadcast %and3A_331 : i32 to vector<16xi32>
      %and3A_333 = arith.andi %add3A_330, %and3A_332 : vector<16xi32>
      %add3A_334 = arith.constant 0 : i32
      %add3A_335 = vector.broadcast %add3A_334 : i32 to vector<16xi32>
      %add3A_336 = arith.addi %add3A_335, %and3A_333 : vector<16xi32>
      %add3A_337 = arith.addi %mul3A_246, %add3A_336 : vector<16xi32>
      %gather3A_338 = tpu.vector_load_idx %arg7[%add3A_237, %add3A_337] : memref<512x128xf32, #tpu.memory_space<vmem>>[vector<16xi32>, vector<16xi32>], vector<16xf32>,
      tpu.vector_store_idx %arg8[%add3A_336, %add3A_250], %gather3A_338 : memref<64x512xf32, #tpu.memory_space<vmem>>[vector<16xi32>, vector<16xi32>], vector<16xf32>,
      %add3A_339 = arith.constant 16 : i32
      %add3A_340 = vector.broadcast %add3A_339 : i32 to vector<16xi32>
      %add3A_341 = arith.addi %add3A_340, %and3A_333 : vector<16xi32>
      %add3A_342 = arith.addi %mul3A_246, %add3A_341 : vector<16xi32>
      %gather3A_343 = tpu.vector_load_idx %arg7[%add3A_237, %add3A_342] : memref<512x128xf32, #tpu.memory_space<vmem>>[vector<16xi32>, vector<16xi32>], vector<16xf32>,
      tpu.vector_store_idx %arg8[%add3A_341, %add3A_250], %gather3A_343 : memref<64x512xf32, #tpu.memory_space<vmem>>[vector<16xi32>, vector<16xi32>], vector<16xf32>,
      %add3A_344 = arith.constant 32 : i32
      %add3A_345 = vector.broadcast %add3A_344 : i32 to vector<16xi32>
      %add3A_346 = arith.addi %add3A_345, %and3A_333 : vector<16xi32>
      %add3A_347 = arith.addi %mul3A_246, %add3A_346 : vector<16xi32>
      %gather3A_348 = tpu.vector_load_idx %arg7[%add3A_237, %add3A_347] : memref<512x128xf32, #tpu.memory_space<vmem>>[vector<16xi32>, vector<16xi32>], vector<16xf32>,
      tpu.vector_store_idx %arg8[%add3A_346, %add3A_250], %gather3A_348 : memref<64x512xf32, #tpu.memory_space<vmem>>[vector<16xi32>, vector<16xi32>], vector<16xf32>,
      %add3A_349 = arith.constant 48 : i32
      %add3A_350 = vector.broadcast %add3A_349 : i32 to vector<16xi32>
      %add3A_351 = arith.addi %add3A_350, %and3A_333 : vector<16xi32>
      %add3A_352 = arith.addi %mul3A_246, %add3A_351 : vector<16xi32>
      %gather3A_353 = tpu.vector_load_idx %arg7[%add3A_237, %add3A_352] : memref<512x128xf32, #tpu.memory_space<vmem>>[vector<16xi32>, vector<16xi32>], vector<16xf32>,
      tpu.vector_store_idx %arg8[%add3A_351, %add3A_250], %gather3A_353 : memref<64x512xf32, #tpu.memory_space<vmem>>[vector<16xi32>, vector<16xi32>], vector<16xf32>,
      %add3A_354 = arith.constant 4 : i32
      %add3A_355 = vector.broadcast %add3A_354 : i32 to vector<16xi32>
      %add3A_356 = arith.addi %iota3A, %add3A_355 : vector<16xi32>
      %and3A_357 = arith.constant 15 : i32
      %and3A_358 = vector.broadcast %and3A_357 : i32 to vector<16xi32>
      %and3A_359 = arith.andi %add3A_356, %and3A_358 : vector<16xi32>
      %add3A_360 = arith.constant 0 : i32
      %add3A_361 = vector.broadcast %add3A_360 : i32 to vector<16xi32>
      %add3A_362 = arith.addi %add3A_361, %and3A_359 : vector<16xi32>
      %add3A_363 = arith.addi %mul3A_246, %add3A_362 : vector<16xi32>
      %gather3A_364 = tpu.vector_load_idx %arg7[%add3A_237, %add3A_363] : memref<512x128xf32, #tpu.memory_space<vmem>>[vector<16xi32>, vector<16xi32>], vector<16xf32>,
      tpu.vector_store_idx %arg8[%add3A_362, %add3A_250], %gather3A_364 : memref<64x512xf32, #tpu.memory_space<vmem>>[vector<16xi32>, vector<16xi32>], vector<16xf32>,
      %add3A_365 = arith.constant 16 : i32
      %add3A_366 = vector.broadcast %add3A_365 : i32 to vector<16xi32>
      %add3A_367 = arith.addi %add3A_366, %and3A_359 : vector<16xi32>
      %add3A_368 = arith.addi %mul3A_246, %add3A_367 : vector<16xi32>
      %gather3A_369 = tpu.vector_load_idx %arg7[%add3A_237, %add3A_368] : memref<512x128xf32, #tpu.memory_space<vmem>>[vector<16xi32>, vector<16xi32>], vector<16xf32>,
      tpu.vector_store_idx %arg8[%add3A_367, %add3A_250], %gather3A_369 : memref<64x512xf32, #tpu.memory_space<vmem>>[vector<16xi32>, vector<16xi32>], vector<16xf32>,
      %add3A_370 = arith.constant 32 : i32
      %add3A_371 = vector.broadcast %add3A_370 : i32 to vector<16xi32>
      %add3A_372 = arith.addi %add3A_371, %and3A_359 : vector<16xi32>
      %add3A_373 = arith.addi %mul3A_246, %add3A_372 : vector<16xi32>
      %gather3A_374 = tpu.vector_load_idx %arg7[%add3A_237, %add3A_373] : memref<512x128xf32, #tpu.memory_space<vmem>>[vector<16xi32>, vector<16xi32>], vector<16xf32>,
      tpu.vector_store_idx %arg8[%add3A_372, %add3A_250], %gather3A_374 : memref<64x512xf32, #tpu.memory_space<vmem>>[vector<16xi32>, vector<16xi32>], vector<16xf32>,
      %add3A_375 = arith.constant 48 : i32
      %add3A_376 = vector.broadcast %add3A_375 : i32 to vector<16xi32>
      %add3A_377 = arith.addi %add3A_376, %and3A_359 : vector<16xi32>
      %add3A_378 = arith.addi %mul3A_246, %add3A_377 : vector<16xi32>
      %gather3A_379 = tpu.vector_load_idx %arg7[%add3A_237, %add3A_378] : memref<512x128xf32, #tpu.memory_space<vmem>>[vector<16xi32>, vector<16xi32>], vector<16xf32>,
      tpu.vector_store_idx %arg8[%add3A_377, %add3A_250], %gather3A_379 : memref<64x512xf32, #tpu.memory_space<vmem>>[vector<16xi32>, vector<16xi32>], vector<16xf32>,
      %add3A_380 = arith.constant 5 : i32
      %add3A_381 = vector.broadcast %add3A_380 : i32 to vector<16xi32>
      %add3A_382 = arith.addi %iota3A, %add3A_381 : vector<16xi32>
      %and3A_383 = arith.constant 15 : i32
      %and3A_384 = vector.broadcast %and3A_383 : i32 to vector<16xi32>
      %and3A_385 = arith.andi %add3A_382, %and3A_384 : vector<16xi32>
      %add3A_386 = arith.constant 0 : i32
      %add3A_387 = vector.broadcast %add3A_386 : i32 to vector<16xi32>
      %add3A_388 = arith.addi %add3A_387, %and3A_385 : vector<16xi32>
      %add3A_389 = arith.addi %mul3A_246, %add3A_388 : vector<16xi32>
      %gather3A_390 = tpu.vector_load_idx %arg7[%add3A_237, %add3A_389] : memref<512x128xf32, #tpu.memory_space<vmem>>[vector<16xi32>, vector<16xi32>], vector<16xf32>,
      tpu.vector_store_idx %arg8[%add3A_388, %add3A_250], %gather3A_390 : memref<64x512xf32, #tpu.memory_space<vmem>>[vector<16xi32>, vector<16xi32>], vector<16xf32>,
      %add3A_391 = arith.constant 16 : i32
      %add3A_392 = vector.broadcast %add3A_391 : i32 to vector<16xi32>
      %add3A_393 = arith.addi %add3A_392, %and3A_385 : vector<16xi32>
      %add3A_394 = arith.addi %mul3A_246, %add3A_393 : vector<16xi32>
      %gather3A_395 = tpu.vector_load_idx %arg7[%add3A_237, %add3A_394] : memref<512x128xf32, #tpu.memory_space<vmem>>[vector<16xi32>, vector<16xi32>], vector<16xf32>,
      tpu.vector_store_idx %arg8[%add3A_393, %add3A_250], %gather3A_395 : memref<64x512xf32, #tpu.memory_space<vmem>>[vector<16xi32>, vector<16xi32>], vector<16xf32>,
      %add3A_396 = arith.constant 32 : i32
      %add3A_397 = vector.broadcast %add3A_396 : i32 to vector<16xi32>
      %add3A_398 = arith.addi %add3A_397, %and3A_385 : vector<16xi32>
      %add3A_399 = arith.addi %mul3A_246, %add3A_398 : vector<16xi32>
      %gather3A_400 = tpu.vector_load_idx %arg7[%add3A_237, %add3A_399] : memref<512x128xf32, #tpu.memory_space<vmem>>[vector<16xi32>, vector<16xi32>], vector<16xf32>,
      tpu.vector_store_idx %arg8[%add3A_398, %add3A_250], %gather3A_400 : memref<64x512xf32, #tpu.memory_space<vmem>>[vector<16xi32>, vector<16xi32>], vector<16xf32>,
      %add3A_401 = arith.constant 48 : i32
      %add3A_402 = vector.broadcast %add3A_401 : i32 to vector<16xi32>
      %add3A_403 = arith.addi %add3A_402, %and3A_385 : vector<16xi32>
      %add3A_404 = arith.addi %mul3A_246, %add3A_403 : vector<16xi32>
      %gather3A_405 = tpu.vector_load_idx %arg7[%add3A_237, %add3A_404] : memref<512x128xf32, #tpu.memory_space<vmem>>[vector<16xi32>, vector<16xi32>], vector<16xf32>,
      tpu.vector_store_idx %arg8[%add3A_403, %add3A_250], %gather3A_405 : memref<64x512xf32, #tpu.memory_space<vmem>>[vector<16xi32>, vector<16xi32>], vector<16xf32>,
      %add3A_406 = arith.constant 6 : i32
      %add3A_407 = vector.broadcast %add3A_406 : i32 to vector<16xi32>
      %add3A_408 = arith.addi %iota3A, %add3A_407 : vector<16xi32>
      %and3A_409 = arith.constant 15 : i32
      %and3A_410 = vector.broadcast %and3A_409 : i32 to vector<16xi32>
      %and3A_411 = arith.andi %add3A_408, %and3A_410 : vector<16xi32>
      %add3A_412 = arith.constant 0 : i32
      %add3A_413 = vector.broadcast %add3A_412 : i32 to vector<16xi32>
      %add3A_414 = arith.addi %add3A_413, %and3A_411 : vector<16xi32>
      %add3A_415 = arith.addi %mul3A_246, %add3A_414 : vector<16xi32>
      %gather3A_416 = tpu.vector_load_idx %arg7[%add3A_237, %add3A_415] : memref<512x128xf32, #tpu.memory_space<vmem>>[vector<16xi32>, vector<16xi32>], vector<16xf32>,
      tpu.vector_store_idx %arg8[%add3A_414, %add3A_250], %gather3A_416 : memref<64x512xf32, #tpu.memory_space<vmem>>[vector<16xi32>, vector<16xi32>], vector<16xf32>,
      %add3A_417 = arith.constant 16 : i32
      %add3A_418 = vector.broadcast %add3A_417 : i32 to vector<16xi32>
      %add3A_419 = arith.addi %add3A_418, %and3A_411 : vector<16xi32>
      %add3A_420 = arith.addi %mul3A_246, %add3A_419 : vector<16xi32>
      %gather3A_421 = tpu.vector_load_idx %arg7[%add3A_237, %add3A_420] : memref<512x128xf32, #tpu.memory_space<vmem>>[vector<16xi32>, vector<16xi32>], vector<16xf32>,
      tpu.vector_store_idx %arg8[%add3A_419, %add3A_250], %gather3A_421 : memref<64x512xf32, #tpu.memory_space<vmem>>[vector<16xi32>, vector<16xi32>], vector<16xf32>,
      %add3A_422 = arith.constant 32 : i32
      %add3A_423 = vector.broadcast %add3A_422 : i32 to vector<16xi32>
      %add3A_424 = arith.addi %add3A_423, %and3A_411 : vector<16xi32>
      %add3A_425 = arith.addi %mul3A_246, %add3A_424 : vector<16xi32>
      %gather3A_426 = tpu.vector_load_idx %arg7[%add3A_237, %add3A_425] : memref<512x128xf32, #tpu.memory_space<vmem>>[vector<16xi32>, vector<16xi32>], vector<16xf32>,
      tpu.vector_store_idx %arg8[%add3A_424, %add3A_250], %gather3A_426 : memref<64x512xf32, #tpu.memory_space<vmem>>[vector<16xi32>, vector<16xi32>], vector<16xf32>,
      %add3A_427 = arith.constant 48 : i32
      %add3A_428 = vector.broadcast %add3A_427 : i32 to vector<16xi32>
      %add3A_429 = arith.addi %add3A_428, %and3A_411 : vector<16xi32>
      %add3A_430 = arith.addi %mul3A_246, %add3A_429 : vector<16xi32>
      %gather3A_431 = tpu.vector_load_idx %arg7[%add3A_237, %add3A_430] : memref<512x128xf32, #tpu.memory_space<vmem>>[vector<16xi32>, vector<16xi32>], vector<16xf32>,
      tpu.vector_store_idx %arg8[%add3A_429, %add3A_250], %gather3A_431 : memref<64x512xf32, #tpu.memory_space<vmem>>[vector<16xi32>, vector<16xi32>], vector<16xf32>,
      %add3A_432 = arith.constant 7 : i32
      %add3A_433 = vector.broadcast %add3A_432 : i32 to vector<16xi32>
      %add3A_434 = arith.addi %iota3A, %add3A_433 : vector<16xi32>
      %and3A_435 = arith.constant 15 : i32
      %and3A_436 = vector.broadcast %and3A_435 : i32 to vector<16xi32>
      %and3A_437 = arith.andi %add3A_434, %and3A_436 : vector<16xi32>
      %add3A_438 = arith.constant 0 : i32
      %add3A_439 = vector.broadcast %add3A_438 : i32 to vector<16xi32>
      %add3A_440 = arith.addi %add3A_439, %and3A_437 : vector<16xi32>
      %add3A_441 = arith.addi %mul3A_246, %add3A_440 : vector<16xi32>
      %gather3A_442 = tpu.vector_load_idx %arg7[%add3A_237, %add3A_441] : memref<512x128xf32, #tpu.memory_space<vmem>>[vector<16xi32>, vector<16xi32>], vector<16xf32>,
      tpu.vector_store_idx %arg8[%add3A_440, %add3A_250], %gather3A_442 : memref<64x512xf32, #tpu.memory_space<vmem>>[vector<16xi32>, vector<16xi32>], vector<16xf32>,
      %add3A_443 = arith.constant 16 : i32
      %add3A_444 = vector.broadcast %add3A_443 : i32 to vector<16xi32>
      %add3A_445 = arith.addi %add3A_444, %and3A_437 : vector<16xi32>
      %add3A_446 = arith.addi %mul3A_246, %add3A_445 : vector<16xi32>
      %gather3A_447 = tpu.vector_load_idx %arg7[%add3A_237, %add3A_446] : memref<512x128xf32, #tpu.memory_space<vmem>>[vector<16xi32>, vector<16xi32>], vector<16xf32>,
      tpu.vector_store_idx %arg8[%add3A_445, %add3A_250], %gather3A_447 : memref<64x512xf32, #tpu.memory_space<vmem>>[vector<16xi32>, vector<16xi32>], vector<16xf32>,
      %add3A_448 = arith.constant 32 : i32
      %add3A_449 = vector.broadcast %add3A_448 : i32 to vector<16xi32>
      %add3A_450 = arith.addi %add3A_449, %and3A_437 : vector<16xi32>
      %add3A_451 = arith.addi %mul3A_246, %add3A_450 : vector<16xi32>
      %gather3A_452 = tpu.vector_load_idx %arg7[%add3A_237, %add3A_451] : memref<512x128xf32, #tpu.memory_space<vmem>>[vector<16xi32>, vector<16xi32>], vector<16xf32>,
      tpu.vector_store_idx %arg8[%add3A_450, %add3A_250], %gather3A_452 : memref<64x512xf32, #tpu.memory_space<vmem>>[vector<16xi32>, vector<16xi32>], vector<16xf32>,
      %add3A_453 = arith.constant 48 : i32
      %add3A_454 = vector.broadcast %add3A_453 : i32 to vector<16xi32>
      %add3A_455 = arith.addi %add3A_454, %and3A_437 : vector<16xi32>
      %add3A_456 = arith.addi %mul3A_246, %add3A_455 : vector<16xi32>
      %gather3A_457 = tpu.vector_load_idx %arg7[%add3A_237, %add3A_456] : memref<512x128xf32, #tpu.memory_space<vmem>>[vector<16xi32>, vector<16xi32>], vector<16xf32>,
      tpu.vector_store_idx %arg8[%add3A_455, %add3A_250], %gather3A_457 : memref<64x512xf32, #tpu.memory_space<vmem>>[vector<16xi32>, vector<16xi32>], vector<16xf32>,
      %add3A_458 = arith.constant 8 : i32
      %add3A_459 = vector.broadcast %add3A_458 : i32 to vector<16xi32>
      %add3A_460 = arith.addi %iota3A, %add3A_459 : vector<16xi32>
      %and3A_461 = arith.constant 15 : i32
      %and3A_462 = vector.broadcast %and3A_461 : i32 to vector<16xi32>
      %and3A_463 = arith.andi %add3A_460, %and3A_462 : vector<16xi32>
      %add3A_464 = arith.constant 0 : i32
      %add3A_465 = vector.broadcast %add3A_464 : i32 to vector<16xi32>
      %add3A_466 = arith.addi %add3A_465, %and3A_463 : vector<16xi32>
      %add3A_467 = arith.addi %mul3A_246, %add3A_466 : vector<16xi32>
      %gather3A_468 = tpu.vector_load_idx %arg7[%add3A_237, %add3A_467] : memref<512x128xf32, #tpu.memory_space<vmem>>[vector<16xi32>, vector<16xi32>], vector<16xf32>,
      tpu.vector_store_idx %arg8[%add3A_466, %add3A_250], %gather3A_468 : memref<64x512xf32, #tpu.memory_space<vmem>>[vector<16xi32>, vector<16xi32>], vector<16xf32>,
      %add3A_469 = arith.constant 16 : i32
      %add3A_470 = vector.broadcast %add3A_469 : i32 to vector<16xi32>
      %add3A_471 = arith.addi %add3A_470, %and3A_463 : vector<16xi32>
      %add3A_472 = arith.addi %mul3A_246, %add3A_471 : vector<16xi32>
      %gather3A_473 = tpu.vector_load_idx %arg7[%add3A_237, %add3A_472] : memref<512x128xf32, #tpu.memory_space<vmem>>[vector<16xi32>, vector<16xi32>], vector<16xf32>,
      tpu.vector_store_idx %arg8[%add3A_471, %add3A_250], %gather3A_473 : memref<64x512xf32, #tpu.memory_space<vmem>>[vector<16xi32>, vector<16xi32>], vector<16xf32>,
      %add3A_474 = arith.constant 32 : i32
      %add3A_475 = vector.broadcast %add3A_474 : i32 to vector<16xi32>
      %add3A_476 = arith.addi %add3A_475, %and3A_463 : vector<16xi32>
      %add3A_477 = arith.addi %mul3A_246, %add3A_476 : vector<16xi32>
      %gather3A_478 = tpu.vector_load_idx %arg7[%add3A_237, %add3A_477] : memref<512x128xf32, #tpu.memory_space<vmem>>[vector<16xi32>, vector<16xi32>], vector<16xf32>,
      tpu.vector_store_idx %arg8[%add3A_476, %add3A_250], %gather3A_478 : memref<64x512xf32, #tpu.memory_space<vmem>>[vector<16xi32>, vector<16xi32>], vector<16xf32>,
      %add3A_479 = arith.constant 48 : i32
      %add3A_480 = vector.broadcast %add3A_479 : i32 to vector<16xi32>
      %add3A_481 = arith.addi %add3A_480, %and3A_463 : vector<16xi32>
      %add3A_482 = arith.addi %mul3A_246, %add3A_481 : vector<16xi32>
      %gather3A_483 = tpu.vector_load_idx %arg7[%add3A_237, %add3A_482] : memref<512x128xf32, #tpu.memory_space<vmem>>[vector<16xi32>, vector<16xi32>], vector<16xf32>,
      tpu.vector_store_idx %arg8[%add3A_481, %add3A_250], %gather3A_483 : memref<64x512xf32, #tpu.memory_space<vmem>>[vector<16xi32>, vector<16xi32>], vector<16xf32>,
      %add3A_484 = arith.constant 9 : i32
      %add3A_485 = vector.broadcast %add3A_484 : i32 to vector<16xi32>
      %add3A_486 = arith.addi %iota3A, %add3A_485 : vector<16xi32>
      %and3A_487 = arith.constant 15 : i32
      %and3A_488 = vector.broadcast %and3A_487 : i32 to vector<16xi32>
      %and3A_489 = arith.andi %add3A_486, %and3A_488 : vector<16xi32>
      %add3A_490 = arith.constant 0 : i32
      %add3A_491 = vector.broadcast %add3A_490 : i32 to vector<16xi32>
      %add3A_492 = arith.addi %add3A_491, %and3A_489 : vector<16xi32>
      %add3A_493 = arith.addi %mul3A_246, %add3A_492 : vector<16xi32>
      %gather3A_494 = tpu.vector_load_idx %arg7[%add3A_237, %add3A_493] : memref<512x128xf32, #tpu.memory_space<vmem>>[vector<16xi32>, vector<16xi32>], vector<16xf32>,
      tpu.vector_store_idx %arg8[%add3A_492, %add3A_250], %gather3A_494 : memref<64x512xf32, #tpu.memory_space<vmem>>[vector<16xi32>, vector<16xi32>], vector<16xf32>,
      %add3A_495 = arith.constant 16 : i32
      %add3A_496 = vector.broadcast %add3A_495 : i32 to vector<16xi32>
      %add3A_497 = arith.addi %add3A_496, %and3A_489 : vector<16xi32>
      %add3A_498 = arith.addi %mul3A_246, %add3A_497 : vector<16xi32>
      %gather3A_499 = tpu.vector_load_idx %arg7[%add3A_237, %add3A_498] : memref<512x128xf32, #tpu.memory_space<vmem>>[vector<16xi32>, vector<16xi32>], vector<16xf32>,
      tpu.vector_store_idx %arg8[%add3A_497, %add3A_250], %gather3A_499 : memref<64x512xf32, #tpu.memory_space<vmem>>[vector<16xi32>, vector<16xi32>], vector<16xf32>,
      %add3A_500 = arith.constant 32 : i32
      %add3A_501 = vector.broadcast %add3A_500 : i32 to vector<16xi32>
      %add3A_502 = arith.addi %add3A_501, %and3A_489 : vector<16xi32>
      %add3A_503 = arith.addi %mul3A_246, %add3A_502 : vector<16xi32>
      %gather3A_504 = tpu.vector_load_idx %arg7[%add3A_237, %add3A_503] : memref<512x128xf32, #tpu.memory_space<vmem>>[vector<16xi32>, vector<16xi32>], vector<16xf32>,
      tpu.vector_store_idx %arg8[%add3A_502, %add3A_250], %gather3A_504 : memref<64x512xf32, #tpu.memory_space<vmem>>[vector<16xi32>, vector<16xi32>], vector<16xf32>,
      %add3A_505 = arith.constant 48 : i32
      %add3A_506 = vector.broadcast %add3A_505 : i32 to vector<16xi32>
      %add3A_507 = arith.addi %add3A_506, %and3A_489 : vector<16xi32>
      %add3A_508 = arith.addi %mul3A_246, %add3A_507 : vector<16xi32>
      %gather3A_509 = tpu.vector_load_idx %arg7[%add3A_237, %add3A_508] : memref<512x128xf32, #tpu.memory_space<vmem>>[vector<16xi32>, vector<16xi32>], vector<16xf32>,
      tpu.vector_store_idx %arg8[%add3A_507, %add3A_250], %gather3A_509 : memref<64x512xf32, #tpu.memory_space<vmem>>[vector<16xi32>, vector<16xi32>], vector<16xf32>,
      %add3A_510 = arith.constant 10 : i32
      %add3A_511 = vector.broadcast %add3A_510 : i32 to vector<16xi32>
      %add3A_512 = arith.addi %iota3A, %add3A_511 : vector<16xi32>
      %and3A_513 = arith.constant 15 : i32
      %and3A_514 = vector.broadcast %and3A_513 : i32 to vector<16xi32>
      %and3A_515 = arith.andi %add3A_512, %and3A_514 : vector<16xi32>
      %add3A_516 = arith.constant 0 : i32
      %add3A_517 = vector.broadcast %add3A_516 : i32 to vector<16xi32>
      %add3A_518 = arith.addi %add3A_517, %and3A_515 : vector<16xi32>
      %add3A_519 = arith.addi %mul3A_246, %add3A_518 : vector<16xi32>
      %gather3A_520 = tpu.vector_load_idx %arg7[%add3A_237, %add3A_519] : memref<512x128xf32, #tpu.memory_space<vmem>>[vector<16xi32>, vector<16xi32>], vector<16xf32>,
      tpu.vector_store_idx %arg8[%add3A_518, %add3A_250], %gather3A_520 : memref<64x512xf32, #tpu.memory_space<vmem>>[vector<16xi32>, vector<16xi32>], vector<16xf32>,
      %add3A_521 = arith.constant 16 : i32
      %add3A_522 = vector.broadcast %add3A_521 : i32 to vector<16xi32>
      %add3A_523 = arith.addi %add3A_522, %and3A_515 : vector<16xi32>
      %add3A_524 = arith.addi %mul3A_246, %add3A_523 : vector<16xi32>
      %gather3A_525 = tpu.vector_load_idx %arg7[%add3A_237, %add3A_524] : memref<512x128xf32, #tpu.memory_space<vmem>>[vector<16xi32>, vector<16xi32>], vector<16xf32>,
      tpu.vector_store_idx %arg8[%add3A_523, %add3A_250], %gather3A_525 : memref<64x512xf32, #tpu.memory_space<vmem>>[vector<16xi32>, vector<16xi32>], vector<16xf32>,
      %add3A_526 = arith.constant 32 : i32
      %add3A_527 = vector.broadcast %add3A_526 : i32 to vector<16xi32>
      %add3A_528 = arith.addi %add3A_527, %and3A_515 : vector<16xi32>
      %add3A_529 = arith.addi %mul3A_246, %add3A_528 : vector<16xi32>
      %gather3A_530 = tpu.vector_load_idx %arg7[%add3A_237, %add3A_529] : memref<512x128xf32, #tpu.memory_space<vmem>>[vector<16xi32>, vector<16xi32>], vector<16xf32>,
      tpu.vector_store_idx %arg8[%add3A_528, %add3A_250], %gather3A_530 : memref<64x512xf32, #tpu.memory_space<vmem>>[vector<16xi32>, vector<16xi32>], vector<16xf32>,
      %add3A_531 = arith.constant 48 : i32
      %add3A_532 = vector.broadcast %add3A_531 : i32 to vector<16xi32>
      %add3A_533 = arith.addi %add3A_532, %and3A_515 : vector<16xi32>
      %add3A_534 = arith.addi %mul3A_246, %add3A_533 : vector<16xi32>
      %gather3A_535 = tpu.vector_load_idx %arg7[%add3A_237, %add3A_534] : memref<512x128xf32, #tpu.memory_space<vmem>>[vector<16xi32>, vector<16xi32>], vector<16xf32>,
      tpu.vector_store_idx %arg8[%add3A_533, %add3A_250], %gather3A_535 : memref<64x512xf32, #tpu.memory_space<vmem>>[vector<16xi32>, vector<16xi32>], vector<16xf32>,
      %add3A_536 = arith.constant 11 : i32
      %add3A_537 = vector.broadcast %add3A_536 : i32 to vector<16xi32>
      %add3A_538 = arith.addi %iota3A, %add3A_537 : vector<16xi32>
      %and3A_539 = arith.constant 15 : i32
      %and3A_540 = vector.broadcast %and3A_539 : i32 to vector<16xi32>
      %and3A_541 = arith.andi %add3A_538, %and3A_540 : vector<16xi32>
      %add3A_542 = arith.constant 0 : i32
      %add3A_543 = vector.broadcast %add3A_542 : i32 to vector<16xi32>
      %add3A_544 = arith.addi %add3A_543, %and3A_541 : vector<16xi32>
      %add3A_545 = arith.addi %mul3A_246, %add3A_544 : vector<16xi32>
      %gather3A_546 = tpu.vector_load_idx %arg7[%add3A_237, %add3A_545] : memref<512x128xf32, #tpu.memory_space<vmem>>[vector<16xi32>, vector<16xi32>], vector<16xf32>,
      tpu.vector_store_idx %arg8[%add3A_544, %add3A_250], %gather3A_546 : memref<64x512xf32, #tpu.memory_space<vmem>>[vector<16xi32>, vector<16xi32>], vector<16xf32>,
      %add3A_547 = arith.constant 16 : i32
      %add3A_548 = vector.broadcast %add3A_547 : i32 to vector<16xi32>
      %add3A_549 = arith.addi %add3A_548, %and3A_541 : vector<16xi32>
      %add3A_550 = arith.addi %mul3A_246, %add3A_549 : vector<16xi32>
      %gather3A_551 = tpu.vector_load_idx %arg7[%add3A_237, %add3A_550] : memref<512x128xf32, #tpu.memory_space<vmem>>[vector<16xi32>, vector<16xi32>], vector<16xf32>,
      tpu.vector_store_idx %arg8[%add3A_549, %add3A_250], %gather3A_551 : memref<64x512xf32, #tpu.memory_space<vmem>>[vector<16xi32>, vector<16xi32>], vector<16xf32>,
      %add3A_552 = arith.constant 32 : i32
      %add3A_553 = vector.broadcast %add3A_552 : i32 to vector<16xi32>
      %add3A_554 = arith.addi %add3A_553, %and3A_541 : vector<16xi32>
      %add3A_555 = arith.addi %mul3A_246, %add3A_554 : vector<16xi32>
      %gather3A_556 = tpu.vector_load_idx %arg7[%add3A_237, %add3A_555] : memref<512x128xf32, #tpu.memory_space<vmem>>[vector<16xi32>, vector<16xi32>], vector<16xf32>,
      tpu.vector_store_idx %arg8[%add3A_554, %add3A_250], %gather3A_556 : memref<64x512xf32, #tpu.memory_space<vmem>>[vector<16xi32>, vector<16xi32>], vector<16xf32>,
      %add3A_557 = arith.constant 48 : i32
      %add3A_558 = vector.broadcast %add3A_557 : i32 to vector<16xi32>
      %add3A_559 = arith.addi %add3A_558, %and3A_541 : vector<16xi32>
      %add3A_560 = arith.addi %mul3A_246, %add3A_559 : vector<16xi32>
      %gather3A_561 = tpu.vector_load_idx %arg7[%add3A_237, %add3A_560] : memref<512x128xf32, #tpu.memory_space<vmem>>[vector<16xi32>, vector<16xi32>], vector<16xf32>,
      tpu.vector_store_idx %arg8[%add3A_559, %add3A_250], %gather3A_561 : memref<64x512xf32, #tpu.memory_space<vmem>>[vector<16xi32>, vector<16xi32>], vector<16xf32>,
      %add3A_562 = arith.constant 12 : i32
      %add3A_563 = vector.broadcast %add3A_562 : i32 to vector<16xi32>
      %add3A_564 = arith.addi %iota3A, %add3A_563 : vector<16xi32>
      %and3A_565 = arith.constant 15 : i32
      %and3A_566 = vector.broadcast %and3A_565 : i32 to vector<16xi32>
      %and3A_567 = arith.andi %add3A_564, %and3A_566 : vector<16xi32>
      %add3A_568 = arith.constant 0 : i32
      %add3A_569 = vector.broadcast %add3A_568 : i32 to vector<16xi32>
      %add3A_570 = arith.addi %add3A_569, %and3A_567 : vector<16xi32>
      %add3A_571 = arith.addi %mul3A_246, %add3A_570 : vector<16xi32>
      %gather3A_572 = tpu.vector_load_idx %arg7[%add3A_237, %add3A_571] : memref<512x128xf32, #tpu.memory_space<vmem>>[vector<16xi32>, vector<16xi32>], vector<16xf32>,
      tpu.vector_store_idx %arg8[%add3A_570, %add3A_250], %gather3A_572 : memref<64x512xf32, #tpu.memory_space<vmem>>[vector<16xi32>, vector<16xi32>], vector<16xf32>,
      %add3A_573 = arith.constant 16 : i32
      %add3A_574 = vector.broadcast %add3A_573 : i32 to vector<16xi32>
      %add3A_575 = arith.addi %add3A_574, %and3A_567 : vector<16xi32>
      %add3A_576 = arith.addi %mul3A_246, %add3A_575 : vector<16xi32>
      %gather3A_577 = tpu.vector_load_idx %arg7[%add3A_237, %add3A_576] : memref<512x128xf32, #tpu.memory_space<vmem>>[vector<16xi32>, vector<16xi32>], vector<16xf32>,
      tpu.vector_store_idx %arg8[%add3A_575, %add3A_250], %gather3A_577 : memref<64x512xf32, #tpu.memory_space<vmem>>[vector<16xi32>, vector<16xi32>], vector<16xf32>,
      %add3A_578 = arith.constant 32 : i32
      %add3A_579 = vector.broadcast %add3A_578 : i32 to vector<16xi32>
      %add3A_580 = arith.addi %add3A_579, %and3A_567 : vector<16xi32>
      %add3A_581 = arith.addi %mul3A_246, %add3A_580 : vector<16xi32>
      %gather3A_582 = tpu.vector_load_idx %arg7[%add3A_237, %add3A_581] : memref<512x128xf32, #tpu.memory_space<vmem>>[vector<16xi32>, vector<16xi32>], vector<16xf32>,
      tpu.vector_store_idx %arg8[%add3A_580, %add3A_250], %gather3A_582 : memref<64x512xf32, #tpu.memory_space<vmem>>[vector<16xi32>, vector<16xi32>], vector<16xf32>,
      %add3A_583 = arith.constant 48 : i32
      %add3A_584 = vector.broadcast %add3A_583 : i32 to vector<16xi32>
      %add3A_585 = arith.addi %add3A_584, %and3A_567 : vector<16xi32>
      %add3A_586 = arith.addi %mul3A_246, %add3A_585 : vector<16xi32>
      %gather3A_587 = tpu.vector_load_idx %arg7[%add3A_237, %add3A_586] : memref<512x128xf32, #tpu.memory_space<vmem>>[vector<16xi32>, vector<16xi32>], vector<16xf32>,
      tpu.vector_store_idx %arg8[%add3A_585, %add3A_250], %gather3A_587 : memref<64x512xf32, #tpu.memory_space<vmem>>[vector<16xi32>, vector<16xi32>], vector<16xf32>,
      %add3A_588 = arith.constant 13 : i32
      %add3A_589 = vector.broadcast %add3A_588 : i32 to vector<16xi32>
      %add3A_590 = arith.addi %iota3A, %add3A_589 : vector<16xi32>
      %and3A_591 = arith.constant 15 : i32
      %and3A_592 = vector.broadcast %and3A_591 : i32 to vector<16xi32>
      %and3A_593 = arith.andi %add3A_590, %and3A_592 : vector<16xi32>
      %add3A_594 = arith.constant 0 : i32
      %add3A_595 = vector.broadcast %add3A_594 : i32 to vector<16xi32>
      %add3A_596 = arith.addi %add3A_595, %and3A_593 : vector<16xi32>
      %add3A_597 = arith.addi %mul3A_246, %add3A_596 : vector<16xi32>
      %gather3A_598 = tpu.vector_load_idx %arg7[%add3A_237, %add3A_597] : memref<512x128xf32, #tpu.memory_space<vmem>>[vector<16xi32>, vector<16xi32>], vector<16xf32>,
      tpu.vector_store_idx %arg8[%add3A_596, %add3A_250], %gather3A_598 : memref<64x512xf32, #tpu.memory_space<vmem>>[vector<16xi32>, vector<16xi32>], vector<16xf32>,
      %add3A_599 = arith.constant 16 : i32
      %add3A_600 = vector.broadcast %add3A_599 : i32 to vector<16xi32>
      %add3A_601 = arith.addi %add3A_600, %and3A_593 : vector<16xi32>
      %add3A_602 = arith.addi %mul3A_246, %add3A_601 : vector<16xi32>
      %gather3A_603 = tpu.vector_load_idx %arg7[%add3A_237, %add3A_602] : memref<512x128xf32, #tpu.memory_space<vmem>>[vector<16xi32>, vector<16xi32>], vector<16xf32>,
      tpu.vector_store_idx %arg8[%add3A_601, %add3A_250], %gather3A_603 : memref<64x512xf32, #tpu.memory_space<vmem>>[vector<16xi32>, vector<16xi32>], vector<16xf32>,
      %add3A_604 = arith.constant 32 : i32
      %add3A_605 = vector.broadcast %add3A_604 : i32 to vector<16xi32>
      %add3A_606 = arith.addi %add3A_605, %and3A_593 : vector<16xi32>
      %add3A_607 = arith.addi %mul3A_246, %add3A_606 : vector<16xi32>
      %gather3A_608 = tpu.vector_load_idx %arg7[%add3A_237, %add3A_607] : memref<512x128xf32, #tpu.memory_space<vmem>>[vector<16xi32>, vector<16xi32>], vector<16xf32>,
      tpu.vector_store_idx %arg8[%add3A_606, %add3A_250], %gather3A_608 : memref<64x512xf32, #tpu.memory_space<vmem>>[vector<16xi32>, vector<16xi32>], vector<16xf32>,
      %add3A_609 = arith.constant 48 : i32
      %add3A_610 = vector.broadcast %add3A_609 : i32 to vector<16xi32>
      %add3A_611 = arith.addi %add3A_610, %and3A_593 : vector<16xi32>
      %add3A_612 = arith.addi %mul3A_246, %add3A_611 : vector<16xi32>
      %gather3A_613 = tpu.vector_load_idx %arg7[%add3A_237, %add3A_612] : memref<512x128xf32, #tpu.memory_space<vmem>>[vector<16xi32>, vector<16xi32>], vector<16xf32>,
      tpu.vector_store_idx %arg8[%add3A_611, %add3A_250], %gather3A_613 : memref<64x512xf32, #tpu.memory_space<vmem>>[vector<16xi32>, vector<16xi32>], vector<16xf32>,
      %add3A_614 = arith.constant 14 : i32
      %add3A_615 = vector.broadcast %add3A_614 : i32 to vector<16xi32>
      %add3A_616 = arith.addi %iota3A, %add3A_615 : vector<16xi32>
      %and3A_617 = arith.constant 15 : i32
      %and3A_618 = vector.broadcast %and3A_617 : i32 to vector<16xi32>
      %and3A_619 = arith.andi %add3A_616, %and3A_618 : vector<16xi32>
      %add3A_620 = arith.constant 0 : i32
      %add3A_621 = vector.broadcast %add3A_620 : i32 to vector<16xi32>
      %add3A_622 = arith.addi %add3A_621, %and3A_619 : vector<16xi32>
      %add3A_623 = arith.addi %mul3A_246, %add3A_622 : vector<16xi32>
      %gather3A_624 = tpu.vector_load_idx %arg7[%add3A_237, %add3A_623] : memref<512x128xf32, #tpu.memory_space<vmem>>[vector<16xi32>, vector<16xi32>], vector<16xf32>,
      tpu.vector_store_idx %arg8[%add3A_622, %add3A_250], %gather3A_624 : memref<64x512xf32, #tpu.memory_space<vmem>>[vector<16xi32>, vector<16xi32>], vector<16xf32>,
      %add3A_625 = arith.constant 16 : i32
      %add3A_626 = vector.broadcast %add3A_625 : i32 to vector<16xi32>
      %add3A_627 = arith.addi %add3A_626, %and3A_619 : vector<16xi32>
      %add3A_628 = arith.addi %mul3A_246, %add3A_627 : vector<16xi32>
      %gather3A_629 = tpu.vector_load_idx %arg7[%add3A_237, %add3A_628] : memref<512x128xf32, #tpu.memory_space<vmem>>[vector<16xi32>, vector<16xi32>], vector<16xf32>,
      tpu.vector_store_idx %arg8[%add3A_627, %add3A_250], %gather3A_629 : memref<64x512xf32, #tpu.memory_space<vmem>>[vector<16xi32>, vector<16xi32>], vector<16xf32>,
      %add3A_630 = arith.constant 32 : i32
      %add3A_631 = vector.broadcast %add3A_630 : i32 to vector<16xi32>
      %add3A_632 = arith.addi %add3A_631, %and3A_619 : vector<16xi32>
      %add3A_633 = arith.addi %mul3A_246, %add3A_632 : vector<16xi32>
      %gather3A_634 = tpu.vector_load_idx %arg7[%add3A_237, %add3A_633] : memref<512x128xf32, #tpu.memory_space<vmem>>[vector<16xi32>, vector<16xi32>], vector<16xf32>,
      tpu.vector_store_idx %arg8[%add3A_632, %add3A_250], %gather3A_634 : memref<64x512xf32, #tpu.memory_space<vmem>>[vector<16xi32>, vector<16xi32>], vector<16xf32>,
      %add3A_635 = arith.constant 48 : i32
      %add3A_636 = vector.broadcast %add3A_635 : i32 to vector<16xi32>
      %add3A_637 = arith.addi %add3A_636, %and3A_619 : vector<16xi32>
      %add3A_638 = arith.addi %mul3A_246, %add3A_637 : vector<16xi32>
      %gather3A_639 = tpu.vector_load_idx %arg7[%add3A_237, %add3A_638] : memref<512x128xf32, #tpu.memory_space<vmem>>[vector<16xi32>, vector<16xi32>], vector<16xf32>,
      tpu.vector_store_idx %arg8[%add3A_637, %add3A_250], %gather3A_639 : memref<64x512xf32, #tpu.memory_space<vmem>>[vector<16xi32>, vector<16xi32>], vector<16xf32>,
      %add3A_640 = arith.constant 15 : i32
      %add3A_641 = vector.broadcast %add3A_640 : i32 to vector<16xi32>
      %add3A_642 = arith.addi %iota3A, %add3A_641 : vector<16xi32>
      %and3A_643 = arith.constant 15 : i32
      %and3A_644 = vector.broadcast %and3A_643 : i32 to vector<16xi32>
      %and3A_645 = arith.andi %add3A_642, %and3A_644 : vector<16xi32>
      %add3A_646 = arith.constant 0 : i32
      %add3A_647 = vector.broadcast %add3A_646 : i32 to vector<16xi32>
      %add3A_648 = arith.addi %add3A_647, %and3A_645 : vector<16xi32>
      %add3A_649 = arith.addi %mul3A_246, %add3A_648 : vector<16xi32>
      %gather3A_650 = tpu.vector_load_idx %arg7[%add3A_237, %add3A_649] : memref<512x128xf32, #tpu.memory_space<vmem>>[vector<16xi32>, vector<16xi32>], vector<16xf32>,
      tpu.vector_store_idx %arg8[%add3A_648, %add3A_250], %gather3A_650 : memref<64x512xf32, #tpu.memory_space<vmem>>[vector<16xi32>, vector<16xi32>], vector<16xf32>,
      %add3A_651 = arith.constant 16 : i32
      %add3A_652 = vector.broadcast %add3A_651 : i32 to vector<16xi32>
      %add3A_653 = arith.addi %add3A_652, %and3A_645 : vector<16xi32>
      %add3A_654 = arith.addi %mul3A_246, %add3A_653 : vector<16xi32>
      %gather3A_655 = tpu.vector_load_idx %arg7[%add3A_237, %add3A_654] : memref<512x128xf32, #tpu.memory_space<vmem>>[vector<16xi32>, vector<16xi32>], vector<16xf32>,
      tpu.vector_store_idx %arg8[%add3A_653, %add3A_250], %gather3A_655 : memref<64x512xf32, #tpu.memory_space<vmem>>[vector<16xi32>, vector<16xi32>], vector<16xf32>,
      %add3A_656 = arith.constant 32 : i32
      %add3A_657 = vector.broadcast %add3A_656 : i32 to vector<16xi32>
      %add3A_658 = arith.addi %add3A_657, %and3A_645 : vector<16xi32>
      %add3A_659 = arith.addi %mul3A_246, %add3A_658 : vector<16xi32>
      %gather3A_660 = tpu.vector_load_idx %arg7[%add3A_237, %add3A_659] : memref<512x128xf32, #tpu.memory_space<vmem>>[vector<16xi32>, vector<16xi32>], vector<16xf32>,
      tpu.vector_store_idx %arg8[%add3A_658, %add3A_250], %gather3A_660 : memref<64x512xf32, #tpu.memory_space<vmem>>[vector<16xi32>, vector<16xi32>], vector<16xf32>,
      %add3A_661 = arith.constant 48 : i32
      %add3A_662 = vector.broadcast %add3A_661 : i32 to vector<16xi32>
      %add3A_663 = arith.addi %add3A_662, %and3A_645 : vector<16xi32>
      %add3A_664 = arith.addi %mul3A_246, %add3A_663 : vector<16xi32>
      %gather3A_665 = tpu.vector_load_idx %arg7[%add3A_237, %add3A_664] : memref<512x128xf32, #tpu.memory_space<vmem>>[vector<16xi32>, vector<16xi32>], vector<16xf32>,
      tpu.vector_store_idx %arg8[%add3A_663, %add3A_250], %gather3A_665 : memref<64x512xf32, #tpu.memory_space<vmem>>[vector<16xi32>, vector<16xi32>], vector<16xf32>,
    }
    %scan3A_232 = arith.constant 32 : i32
    "tpu.region"() ({
      %run_scoped3A = tpu.sem_alloc : memref<!tpu.dma_semaphore, #tpu.memory_space<semaphore_mem>>
      %dma_start3A_233 = arith.constant 0 : i32
      %dma_start3A_234 = tpu.memref_slice %arg4[%dma_start3A_233, %mul3A_2] : memref<64x16384xf32, #tpu.memory_space<hbm>> -> memref<64x512xf32, #tpu.memory_space<hbm>>
      %dma_start3A_235 = arith.constant 0 : i32
      %dma_start3A_236 = tpu.memref_slice %arg4[%dma_start3A_235, %mul3A_2] : memref<64x16384xf32, #tpu.memory_space<hbm>> -> memref<64x512xf32, #tpu.memory_space<hbm>>
      tpu.enqueue_dma source(%arg8 : memref<64x512xf32, #tpu.memory_space<vmem>>) target(%dma_start3A_236 : memref<64x512xf32, #tpu.memory_space<hbm>>) target_semaphore(%run_scoped3A : memref<!tpu.dma_semaphore, #tpu.memory_space<semaphore_mem>>)
      %dma_wait3A_237 = arith.constant 0 : i32
      %dma_wait3A_238 = tpu.memref_slice %arg4[%dma_wait3A_237, %mul3A_2] : memref<64x16384xf32, #tpu.memory_space<hbm>> -> memref<64x512xf32, #tpu.memory_space<hbm>>
      %dma_wait3A_239 = arith.constant 0 : i32
      %dma_wait3A_240 = tpu.memref_slice %arg4[%dma_wait3A_239, %mul3A_2] : memref<64x16384xf32, #tpu.memory_space<hbm>> -> memref<64x512xf32, #tpu.memory_space<hbm>>
      tpu.wait_dma2 semaphore(%run_scoped3A : memref<!tpu.dma_semaphore, #tpu.memory_space<semaphore_mem>>) src(%arg8 : memref<64x512xf32, #tpu.memory_space<vmem>>) dst(%dma_wait3A_240 : memref<64x512xf32, #tpu.memory_space<hbm>>)
      tpu.yield
    }) : () -> ()
    return
  }
}

</mosaic_0001>

<sc_bundles>
// kernel: kernel.3.cloned.1.call-start
scs
__scs_entry_jumppad:
0x0: {  	(pc) =	sbr.rel $0x88, $3  }
0x1: {  	(tag) =	ssettag $0x0;
	lr =	simm.s32 $0x1  }
0x2: {  	[smem:$0x3F9F] =	sst lr;
	_ =	strace $0xD0000000  }
0x3: {  	_ = 	snop  }
0x4: {  	_ = 	snop  }
0x5: {  	_ = 	snop  }
0x6: {  	_ = 	snop  }
0x7: {  	_ = 	snop  }
__scs_overlays_trampoline_lowered:
0x8: {  	[smem:$0x3FAE] =	sst s0  }
0x9: {  	[smem:$0x3FAF] =	sst s1  }
0xa: {  	[smem:$0x3FB0] =	sst s2  }
0xb: {  	[smem:$0x3FB1] =	sst s3  }
0xc: {  	[smem:$0x3FB2] =	sst s4  }
0xd: {  	[smem:$0x3FB3] =	sst s5  }
0xe: {  	[smem:$0x3FB4] =	sst s6  }
0xf: {  	[smem:$0x3FB5] =	sst s7  }
0x10: {  	[smem:$0x3FB6] =	sst s8  }
0x11: {  	[smem:$0x3FB7] =	sst s9;
	s0 =	simm.s32 @!p0 $0x0  }
0x12: {  	s1 =	sld [smem:$0x3F9D];
	s0 =	simm.s32 @p0 $0x1  }
0x13: {  	[smem:$0x3FB8] =	sst s0;
	s0 =	simm.s32 @!p1 $0x0  }
0x14: {  	s2 =	sld [smem:$0x3F9C];
	s0 =	simm.s32 @p1 $0x1  }
0x15: {  	[smem:$0x3FB9] =	sst s0;
	s0 =	simm.s32 @!p2 $0x0  }
0x16: {  	s3 =	sld [smem:$0x3FDB];
	s0 =	simm.s32 @p2 $0x1  }
0x17: {  	s4 =	simm.s32 $0x1BF5;
	[smem:$0x3FBB] =	sst s0  }
0x18: {  	s0 =	sld [smem:$0x3F9E];
	_ =	swait.ge [sflag:s4], $0x0  }
0x19: {  	s7 =	sld [smem:$0x3F9F]  }
0x1a: {  	s8 =	sadd.s32 $0xFFFFE003, lr  }
0x1b: {  	s9 =	sadd.s32 $0xFFFFFEF7, lr;
	s5 =	simm.s32 $0xFFFFFFFF;
	p2 =	slt.u32 s8, $0xFFFFF086  }
0x1c: {  	p1 =	slt.u32 s9, $0xF7A;
	s5 =	simm.s32 @!p2 $0x0  }
0x1d: {  	s5 =	simm.s32 @p1 $0x1;
	p0 =	seq.s32 s7, s2  }
0x1e: {  	s7 =	smul.u32 @!p0 $0xF7A, s2;
	p2 =	seq.s32 @!p0 s5, $0x0  }
0x1f: {  	s9 =	smul.u32 $0xF7A, s1;
	s8 =	simm.s32 @!p0 $0x1BF5;
	p2 =	por !p2, p0  }
0x20: {  	[sflag:s8] =	ssyncset.s32 @!p0 $0xFFFFF086;
	s6 =	sadd.s32 @!p0 s3, s7;
	s7 =	simm.s32 @!p0 $0x108  }
0x21: {  	s3 =	sadd.s32 s3, s9;
	s6 =	sadd.s32 @!p0 $0x88, s6;
	s7 =	simm.s32 @p2 $0x1082  }
0x22: {  	[simem:s7], [sflag:s8] =	dma.local @!p0 [hbm:s6], $0xF7A  }
0x23: {  	s9 =	sor.u32 $0xD0000000, s2;
	s6 =	simm.s32 $0x108;
	_ =	swait.ge @!p0 [sflag:s8], $0x0  }
0x24: {  	s3 =	sadd.s32 $0x88, s3;
	s6 =	simm.s32 @!p1 $0x1082;
	[sflag:s4] =	ssyncset.s32 $0xFFFFF086  }
0x25: {  	[simem:s6], [sflag:s4] =	dma.local [hbm:s3], $0xF7A  }
0x26: {  	[smem:$0x3F9F] =	sst s1;
	(tag) =	ssettag s2;
	_ =	strace s9  }
0x27: {  	s1 =	sld [smem:$0x3FAF]  }
0x28: {  	s2 =	sld [smem:$0x3FB0]  }
0x29: {  	s4 =	sld [smem:$0x3FB2]  }
0x2a: {  	p0 =	seq.s32 s5, $0x0;
	s5 =	sld [smem:$0x3FB3]  }
0x2b: {  	s6 =	sld [smem:$0x3FB4]  }
0x2c: {  	s7 =	sld [smem:$0x3FB5]  }
0x2d: {  	s3 =	simm.s32 $0x108;
	s8 =	sld [smem:$0x3FB6]  }
0x2e: {  	s3 =	simm.s32 @!p0 $0x1082;
	s9 =	sld [smem:$0x3FB7]  }
0x2f: {  	lr =	sadd.s32 s0, s3;
	s0 =	sld [smem:$0x3FAE]  }
0x30: {  	s3 =	sld [smem:$0x3FB1]  }
0x31: {  	[smem:$0x3FBA] =	sst s10  }
0x32: {  	s10 =	sld [smem:$0x3FB8];
	_ =	sdelay $0x3  }
0x33: {  	p0 =	seq.s32 s10, $0x1;
	s10 =	sld [smem:$0x3FBA];
	_ =	sdelay $0x3  }
0x34: {  	[smem:$0x3FBA] =	sst s10  }
0x35: {  	s10 =	sld [smem:$0x3FB9];
	_ =	sdelay $0x3  }
0x36: {  	p1 =	seq.s32 s10, $0x1;
	s10 =	sld [smem:$0x3FBA];
	_ =	sdelay $0x3  }
0x37: {  	[smem:$0x3FBA] =	sst s10  }
0x38: {  	s10 =	sld [smem:$0x3FBB]  }
0x39: {  	_ = 	snop;
	(pc) =	sbr.ind lr, $3  }
0x3a: {  	_ = 	snop  }
0x3b: {  	_ = 	snop  }
0x3c: {  	p2 =	seq.s32 s10, $0x1;
	s10 =	sld [smem:$0x3FBA]  }
0x3d: {  	_ =	shalt  }
0x3e: {  	_ =	shalt  }
0x3f: {  	_ =	shalt  }
0x40: {  	_ =	shalt  }
0x41: {  	_ =	shalt  }
0x42: {  	_ =	shalt  }
0x43: {  	_ =	shalt  }
0x44: {  	_ =	shalt  }
0x45: {  	_ =	shalt  }
0x46: {  	_ =	shalt  }
0x47: {  	_ =	shalt  }
0x48: {  	_ =	shalt  }
0x49: {  	_ =	shalt  }
0x4a: {  	_ =	shalt  }
0x4b: {  	_ =	shalt  }
0x4c: {  	_ =	shalt  }
0x4d: {  	_ =	shalt  }
0x4e: {  	_ =	shalt  }
0x4f: {  	_ =	shalt  }
0x50: {  	_ =	shalt  }
0x51: {  	_ =	shalt  }
0x52: {  	_ =	shalt  }
0x53: {  	_ =	shalt  }
0x54: {  	_ =	shalt  }
0x55: {  	_ =	shalt  }
0x56: {  	_ =	shalt  }
0x57: {  	_ =	shalt  }
0x58: {  	_ =	shalt  }
0x59: {  	_ =	shalt  }
0x5a: {  	_ =	shalt  }
0x5b: {  	_ =	shalt  }
0x5c: {  	_ =	shalt  }
0x5d: {  	_ =	shalt  }
0x5e: {  	_ =	shalt  }
0x5f: {  	_ =	shalt  }
0x60: {  	_ =	shalt  }
0x61: {  	_ =	shalt  }
0x62: {  	_ =	shalt  }
0x63: {  	_ =	shalt  }
0x64: {  	_ =	shalt  }
0x65: {  	_ =	shalt  }
0x66: {  	_ =	shalt  }
0x67: {  	_ =	shalt  }
0x68: {  	_ =	shalt  }
0x69: {  	_ =	shalt  }
0x6a: {  	_ =	shalt  }
0x6b: {  	_ =	shalt  }
0x6c: {  	_ =	shalt  }
0x6d: {  	_ =	shalt  }
0x6e: {  	_ =	shalt  }
0x6f: {  	_ =	shalt  }
0x70: {  	_ =	shalt  }
0x71: {  	_ =	shalt  }
0x72: {  	_ =	shalt  }
0x73: {  	_ =	shalt  }
0x74: {  	_ =	shalt  }
0x75: {  	_ =	shalt  }
0x76: {  	_ =	shalt  }
0x77: {  	_ =	shalt  }
0x78: {  	_ =	shalt  }
0x79: {  	_ =	shalt  }
0x7a: {  	_ =	shalt  }
0x7b: {  	_ =	shalt  }
0x7c: {  	_ =	shalt  }
0x7d: {  	_ =	shalt  }
0x7e: {  	_ =	shalt  }
0x7f: {  	_ =	shalt  }
0x80: {  	_ =	shalt  }
0x81: {  	_ =	shalt  }
0x82: {  	_ =	shalt  }
0x83: {  	_ =	shalt  }
0x84: {  	_ =	shalt  }
0x85: {  	_ =	shalt  }
0x86: {  	_ =	shalt  }
0x87: {  	_ =	shalt  }
.Lfunc_end0:
.L_simem_size_0:
called_computation_lowered:
.L_overlay_start_0:
0x88: {  	s2 =	sld [smem:$0x3FD9]  }
0x89: {  	s3 =	sld [smem:$0x3FFE];
	_ =	sdelay $0x1  }
0x8a: {  	s1 =	srdreg.scid  }
0x8b: {  	s0 =	sand.u32 $0x1, s1  }
0x8c: {  	s17 =	sshll.u32 s0, $0xA;
	s2 =	sadd.s32 s3, s2  }
0x8d: {  	s2 =	sadd.s32 s2, s17  }
0x8e: {  	[smem:$0x3FC6] =	sst s2  }
0x8f: {  	_ = 	snop  }
0x90: {  	s2 =	sld [smem:$0x3FC9]  }
0x91: {  	s18 =	sld [smem:$0x3FD0];
	(tm) =	ssettm $0x1  }
0x92: {  	s4 =	sld [smem:$0x3FFB];
	_ =	sdelay $0x3  }
0x93: {  	_ =	strace s4  }
0x94: {  	s4 =	sld [smem:$0x3FFC];
	_ =	sdelay $0x3  }
0x95: {  	_ =	strace s4  }
0x96: {  	s4 =	sld [smem:$0x3FFD];
	_ =	sdelay $0x3  }
0x97: {  	_ =	strace s4  }
0x98: {  	_ =	strace $0x8FFFFFFF  }
0x99: {  	s19 =	sld [smem:$0x3FDB];
	_ =	sdelay $0x1  }
0x9a: {  	s5 =	simm.s32 $_scs_section_size  }
0x9b: {  	s6 =	simm.s32 $_size__tile_overlayer_lowered;
	s7 =	simm.s32 $_tile_overlayer_lowered  }
0x9c: {  	s22 =	simm.s32 $0x1BFF;
	s21 =	sshll.u32 s7, $0x1;
	s4 =	sadd.s32 s5, s19  }
0x9d: {  	s8 =	simm.s32 $0x0;
	s20 =	sshll.u32 s6, $0x1;
	s6 =	sadd.s32 s21, s4  }
0x9e: {  	[timem:s8], [sflag:s22] =	dma.local [hbm:s6], s20  }
0x9f: {  	_ =	swait.ge [sflag:s22], s20  }
0xa0: {  	s5 =	ssub.s32 $0x0, s20;
	[sflag:s22] =	ssyncset.done $0x0  }
0xa1: {  	[sflag:s22] =	ssyncadd.s32 s5;
	_ =	sdelay $0x1  }
0xa2: {  	s23 =	simm.s32 $0x1B8B  }
0xa3: {  	_ =	swait.ge [sflag:s23], $0x1  }
0xa4: {  	[sflag:s23] =	ssyncset.done $0x0  }
0xa5: {  	s25 =	simm.s32 $0x1B8E;
	s24 =	sld [smem:$0x3FFE];
	[sflag:s23] =	ssyncadd.s32 $0xFFFFFFFF  }
0xa6: {  	s26 =	simm.s32 $execute0_lowered;
	[smem:$0x3FD2] =	sst s25  }
0xa7: {  	s6 =	sshll.u32 s26, $0x1;
	_ =	strace $0x80000046;
	[dreg:$0x1] =	wrdreg $0xFFFFFFFF  }
0xa8: {  	s28 =	simm.s32 $_size_execute0_lowered;
	s4 =	sadd.s32 s4, s6;
	[dreg:$0x0] =	wrdreg $0x0  }
0xa9: {  	s6 =	sshll.u32 s28, $0x1;
	[dreg:$0x2] =	wrdreg s4  }
0xaa: {  	[dreg:$0x3] =	wrdreg s6  }
0xab: {  	[dreg:$0x4] =	wrdreg $0xC0  }
0xac: {  	_ =	task [dreg:s8], $0x5FFFF  }
0xad: {  	[dreg:$0x1] =	wrdreg $0xFFFFFFFF  }
0xae: {  	[dreg:$0x0] =	wrdreg $0x60  }
0xaf: {  	[dreg:$0x2] =	wrdreg s2  }
0xb0: {  	[dreg:$0x3] =	wrdreg s24  }
0xb1: {  	[dreg:$0x4] =	wrdreg s18  }
0xb2: {  	[dreg:$0x5] =	wrdreg $0x9  }
0xb3: {  	_ =	task.clear_ibuf [dreg:s8], $0x6FFFF;
	_ =	strace $0x90000046  }
0xb4: {  	s29 =	simm.s32 $0x9;
	_ =	strace $0x80000048  }
0xb5: {  	_ =	swait.ge [sflag:s29], $0x1  }
0xb6: {  	[sflag:s29] =	ssyncadd.s32 $0xFFFFFFFF  }
0xb7: {  	_ =	strace $0x90000048  }
0xb8: {  	_ =	sfence  }
0xb9: {  	s30 =	sld [smem:$0x0];
	_ =	sdelay $0x2  }
0xba: {  	s31 =	sshll.u32 s1, $0xD;
	s1 =	sshrl.u32 s1, $0x2  }
0xbb: {  	s3 =	sand.u32 $0x4000, s31;
	s1 =	sadd.s32 s1, s30  }
0xbc: {  	s0 =	sor.u32 s3, s0;
	s1 =	sshll.u32 s1, $0x11  }
0xbd: {  	s0 =	sor.u32 s1, s0  }
0xbe: {  	s0 =	sadd.s32 $0x8F2B, s0  }
0xbf: {  	[sflag:s0] =	ssyncadd.remote.s32 $0x1  }
0xc0: {  	_ =	sfence.sel $0xFFFF  }
0xc1: {  	[dreg:$0x0] =	wrdreg $0xFFFFFFFF;
	(pc) =	sbr.abs _section_cstart, $3  }
0xc2: {  	[dreg:$0x1] =	wrdreg $0xFFFFFFFF  }
0xc3: {  	_ =	task.clear_ibuf [dreg:s8], $0x2FFFF;
	_ =	strace $0x9FFFFFFF  }
0xc4: {  	(tm) =	ssettm $0x7FFFFFFF  }
0xc5: {  	_ =	shalt  }
tec
execute0_lowered:
.L_overlay_start_1:
0x0: {  	(tag) =	ssettag $0x1  }
0x1: {  	vm14 =	vcmask $0x300  }
0x2: {  	v0 =	vimm.s32 $0x1380;
	vm13 =	vcmask $0x704;
	vm12 =	vcmask $0xB08  }
0x3: {  	vm11 =	vcmask $0xF0C;
	vm10 =	vcmask $0x1310;
	vm9 =	vcmask $0x1714  }
0x4: {  	vm8 =	vcmask $0x1B18;
	vm7 =	vcmask $0x1F1C;
	vm5 =	vcmask $0x2320  }
0x5: {  	v1 =	vimm.s32 $0x3380;
	vm6 =	vcmask $0x2724;
	vm4 =	vcmask $0x2B28  }
0x6: {  	vm3 =	vcmask $0x2F2C;
	vm1 =	vcmask $0x3330;
	vm2 =	vcmask $0x3734  }
0x7: {  	v2 =	vimm.s32 $0x5380;
	vm0 =	vcmask $0x3B38;
	v61 =	vimm.s32 $0x7380  }
0x8: {  	v32 =	vimm.s32 $0x0;
	v35 =	vimm.s32 $0xFEDCBA9;
	v3 =	vimm.s32 $0x87654321  }
0x9: {  	v36 =	vimm.s32 $0x2000;
	v40 =	vimm.s32 $0x1C1B1A19;
	v42 =	vimm.s32 $0x4000  }
0xa: {  	v43 =	vimm.s32 $0x101F1E1D;
	v44 =	vimm.s32 $0x14131211;
	v45 =	vimm.s32 $0x18171615  }
0xb: {  	v46 =	vimm.s32 $0x2C2B2A29;
	v49 =	vimm.s32 $0x202F2E2D;
	v50 =	vimm.s32 $0x6000  }
0xc: {  	v52 =	vimm.s32 $0x24232221;
	v53 =	vimm.s32 $0x28272625;
	v54 =	vimm.s32 $0x3C3B3A39  }
0xd: {  	v55 =	vimm.s32 $0x303F3E3D;
	v56 =	vimm.s32 $0x34333231;
	v58 =	vimm.s32 $0x80  }
0xe: {  	v5 =	vimm.s32 $0x6080;
	v6 =	vimm.s32 $0x100;
	v7 =	vimm.s32 $0x2100  }
0xf: {  	v8 =	vimm.s32 $0x4100;
	v9 =	vimm.s32 $0x6100;
	v10 =	vimm.s32 $0x180  }
0x10: {  	v11 =	vimm.s32 $0x2180;
	v12 =	vimm.s32 $0x4180;
	v13 =	vimm.s32 $0x6180  }
0x11: {  	v14 =	vimm.s32 $0x200;
	v15 =	vimm.s32 $0x2200;
	v16 =	vimm.s32 $0x4200  }
0x12: {  	v17 =	vimm.s32 $0x6200;
	v18 =	vimm.s32 $0x280;
	v19 =	vimm.s32 $0x2280  }
0x13: {  	v20 =	vimm.s32 $0x4280;
	v21 =	vimm.s32 $0x6280;
	v22 =	vimm.s32 $0xFEDCBA98  }
0x14: {  	v23 =	vimm.s32 $0x76543210;
	v24 =	vimm.s32 $0x300;
	v25 =	vimm.s32 $0x2300  }
0x15: {  	v26 =	vimm.s32 $0x4300;
	v27 =	vimm.s32 $0x6300;
	v28 =	vimm.s32 $0x4380  }
0x16: {  	v29 =	vimm.s32 $0x6380;
	v30 =	vimm.s32 $0x1000;
	v31 =	vimm.s32 $0x3000  }
0x17: {  	v0 =	vsel vm14, $0x0, v0;
	v1 =	vsel vm14, $0x2000, v1;
	v2 =	vsel vm14, $0x4000, v2  }
0x18: {  	v3 =	vunpack.c.l.s4.s8 v3;
	v47 =	vunpack.c.0.s8.s32 v46;
	v51 =	vsel vm14, $0x6080, v50  }
0x19: {  	v5 =	vsel vm14, $0x6100, v5;
	v6 =	vsel vm14, $0x180, v6;
	v7 =	vsel vm14, $0x2180, v7  }
0x1a: {  	v8 =	vsel vm14, $0x4180, v8;
	v9 =	vsel vm14, $0x6180, v9;
	v10 =	vsel vm14, $0x200, v10  }
0x1b: {  	v11 =	vsel vm14, $0x2200, v11;
	v12 =	vsel vm14, $0x4200, v12;
	v13 =	vsel vm14, $0x6200, v13  }
0x1c: {  	v14 =	vsel vm14, $0x280, v14;
	v15 =	vsel vm14, $0x2280, v15;
	v16 =	vsel vm14, $0x4280, v16  }
0x1d: {  	v17 =	vsel vm14, $0x6280, v17;
	v18 =	vsel vm14, $0x300, v18;
	v19 =	vsel vm14, $0x2300, v19  }
0x1e: {  	v20 =	vsel vm14, $0x4300, v20;
	v21 =	vsel vm14, $0x6300, v21;
	v22 =	vunpack.c.l.s4.s8 v22  }
0x1f: {  	v23 =	vunpack.c.l.s4.s8 v23;
	v24 =	vsel vm14, $0x380, v24;
	v25 =	vsel vm14, $0x2380, v25  }
0x20: {  	v26 =	vsel vm14, $0x4380, v26;
	v27 =	vsel vm14, $0x6380, v27;
	v28 =	vsel vm14, $0x5000, v28  }
0x21: {  	v29 =	vsel vm14, $0x7000, v29;
	v30 =	vsel vm14, $0x1080, v30;
	v31 =	vsel vm14, $0x3080, v31  }
0x22: {  	v46 =	vimm.s32 $0x1200;
	v50 =	vimm.s32 $0x1280;
	v0 =	vsel vm13, $0x80, v0  }
0x23: {  	v1 =	vsel vm13, $0x2080, v1;
	v2 =	vsel vm13, $0x4080, v2;
	v46 =	vsel vm14, $0x1280, v46  }
0x24: {  	v50 =	vsel vm14, $0x1300, v50;
	v0 =	vsel vm12, $0x100, v0;
	v1 =	vsel vm12, $0x2100, v1  }
0x25: {  	v60 =	vsel vm12, $0x4100, v2;
	v2 =	vsel vm14, $0x6000, v61;
	v3 =	vunpack.c.0.s8.s32 v3  }
0x26: {  	v61 =	vimm.s32 $0x2080;
	v22 =	vunpack.c.0.s8.s32 v22;
	v23 =	vunpack.c.0.s8.s32 v23  }
0x27: {  	[tilespmem:$0x1F9C0] =	vst v47;
	v47 =	vimm.s32 $0x3200;
	v0 =	vsel vm11, $0x180, v0;
	v1 =	vsel vm11, $0x2180, v1  }
0x28: {  	v2 =	vsel vm13, $0x6080, v2;
	v47 =	vsel vm14, $0x3280, v47;
	v0 =	vsel vm10, $0x200, v0  }
0x29: {  	v1 =	vsel vm10, $0x2200, v1;
	v2 =	vsel vm12, $0x6100, v2;
	v22 =	vand.u32 $0xF, v22  }
0x2a: {  	v0 =	vsel vm9, $0x280, v0;
	v1 =	vsel vm9, $0x2280, v1;
	v2 =	vsel vm11, $0x6180, v2  }
0x2b: {  	v22 =	vcombine.low v22, v23;
	v23 =	vimm.s32 $0x2380;
	v0 =	vsel vm8, $0x300, v0  }
0x2c: {  	v1 =	vsel vm8, $0x2300, v1;
	v63 =	vsel vm10, $0x6200, v2;
	v2 =	vsel vm14, $0x80, v32  }
0x2d: {  	v23 =	vsel vm14, $0x3000, v23;
	v32 =	vimm.s32 $0x5000;
	v0 =	vsel vm7, $0x380, v0  }
0x2e: {  	v1 =	vsel vm7, $0x2380, v1;
	v2 =	vsel vm13, $0x100, v2;
	[tilespmem:$0x1F7F0] =	vst v22;
	v22 =	vimm.s32 $0x380  }
0x2f: {  	v32 =	vsel vm14, $0x5080, v32;
	v23 =	vsel vm13, $0x3080, v23;
	v0 =	vsel vm5, $0x1000, v0  }
0x30: {  	v59 =	vsel vm5, $0x3000, v1;
	v1 =	vsel vm11, $0x4180, v60;
	v2 =	vsel vm12, $0x180, v2  }
0x31: {  	v60 =	vimm.s32 $0x10FEDCBA;
	v22 =	vsel vm14, $0x1000, v22;
	v23 =	vsel vm12, $0x3100, v23  }
0x32: {  	v0 =	vsel vm6, $0x1080, v0;
	v1 =	vsel vm10, $0x4200, v1;
	v2 =	vsel vm11, $0x200, v2  }
0x33: {  	v22 =	vsel vm13, $0x1080, v22;
	v23 =	vsel vm11, $0x3180, v23;
	v0 =	vsel vm4, $0x1100, v0  }
0x34: {  	v1 =	vsel vm9, $0x4280, v1;
	v34 =	vsel vm10, $0x280, v2;
	v2 =	vunpack.c.l.s4.s8 v35  }
0x35: {  	v35 =	vimm.s32 $0x3080;
	v22 =	vsel vm12, $0x1100, v22;
	v23 =	vsel vm10, $0x3200, v23  }
0x36: {  	v0 =	vsel vm3, $0x1180, v0;
	v1 =	vsel vm8, $0x4300, v1;
	v35 =	vsel vm14, $0x3100, v35  }
0x37: {  	v22 =	vsel vm11, $0x1180, v22;
	v23 =	vsel vm9, $0x3280, v23;
	v0 =	vsel vm1, $0x1200, v0  }
0x38: {  	v1 =	vsel vm7, $0x4380, v1;
	v4 =	vunpack.c.0.s8.s32 v2;
	v2 =	vsel vm14, $0x2080, v36  }
0x39: {  	v36 =	vimm.s32 $0x5080;
	v22 =	vsel vm10, $0x1200, v22;
	v23 =	vsel vm8, $0x3300, v23  }
0x3a: {  	v0 =	vsel vm2, $0x1280, v0;
	v62 =	vsel vm5, $0x5000, v1;
	v1 =	vsel vm9, $0x6280, v63  }
0x3b: {  	v2 =	vsel vm13, $0x2100, v2;
	v36 =	vsel vm14, $0x5100, v36;
	v22 =	vsel vm9, $0x1280, v22  }
0x3c: {  	[tilespmem:$0x1F790] =	vst v3;
	v23 =	vsel vm7, $0x3380, v23;
	v0 =	vsel vm0, $0x1300, v0;
	v1 =	vsel vm8, $0x6300, v1  }
0x3d: {  	[tilespmem:$0x1F780] =	vst v4;
	v3 =	vcombine.low v3, v4;
	v2 =	vsel vm12, $0x2180, v2;
	v4 =	vimm.s32 $0x4080  }
0x3e: {  	v22 =	vsel vm8, $0x1300, v22;
	v23 =	vsel vm5, $0x2000, v23;
	[tilespmem:$0x1F750] =	vst v0;
	v0 =	vsel vm6, $0x3080, v59  }
0x3f: {  	v1 =	vsel vm7, $0x6380, v1;
	v38 =	vsel vm11, $0x2200, v2;
	v2 =	vunpack.c.0.s8.s32 v43  }
0x40: {  	v59 =	vimm.s32 $0x38373635;
	v43 =	vimm.s32 $0x3180;
	v22 =	vsel vm7, $0x1380, v22  }
0x41: {  	v23 =	vsel vm6, $0x2080, v23;
	v0 =	vsel vm4, $0x3100, v0;
	v1 =	vsel vm5, $0x7000, v1  }
0x42: {  	v39 =	vand.u32 $0xF, v3;
	v3 =	vsel vm14, $0x2100, v61;
	v43 =	vsel vm14, $0x3200, v43  }
0x43: {  	v22 =	vsel vm5, $0x0, v22;
	v23 =	vsel vm4, $0x2100, v23;
	v0 =	vsel vm3, $0x3180, v0;
	[tilespmem:$0x1F7B0] =	vst v39  }
0x44: {  	v1 =	vsel vm6, $0x7080, v1;
	[tilespmem:$0x1F960] =	vst v2;
	v2 =	vunpack.c.0.s8.s32 v44;
	v39 =	vimm.s32 $0x3100  }
0x45: {  	v44 =	vimm.s32 $0x5180;
	v63 =	vsel vm13, $0x2180, v3;
	v22 =	vsel vm6, $0x80, v22  }
0x46: {  	v0 =	vsel vm1, $0x3200, v0;
	v33 =	vsel vm4, $0x7100, v1;
	v1 =	vsel vm9, $0x300, v34  }
0x47: {  	v34 =	vimm.s32 $0x1080;
	v39 =	vsel vm14, $0x3180, v39;
	v44 =	vsel vm14, $0x5200, v44  }
0x48: {  	v22 =	vsel vm4, $0x100, v22;
	v0 =	vsel vm2, $0x3280, v0;
	v1 =	vsel vm8, $0x380, v1  }
0x49: {  	[tilespmem:$0x1F980] =	vst v2;
	v2 =	vunpack.c.0.s8.s32 v45;
	v45 =	vimm.s32 $0x7180;
	v0 =	vsel vm0, $0x3300, v0  }
0x4a: {  	v34 =	vsel vm14, $0x1100, v34;
	v1 =	vsel vm7, $0x1000, v1;
	v45 =	vsel vm14, $0x7200, v45;
	[tilespmem:$0x1F760] =	vst v0  }
0x4b: {  	v0 =	vsel vm6, $0x5080, v62;
	v1 =	vsel vm5, $0x1080, v1;
	[tilespmem:$0x1F9A0] =	vst v2;
	v2 =	vunpack.c.0.s8.s32 v52  }
0x4c: {  	v52 =	vimm.s32 $0x5280;
	v0 =	vsel vm4, $0x5100, v0;
	v1 =	vsel vm6, $0x1100, v1  }
0x4d: {  	v52 =	vsel vm14, $0x5300, v52;
	v0 =	vsel vm3, $0x5180, v0;
	v1 =	vsel vm4, $0x1180, v1  }
0x4e: {  	[tilespmem:$0x1FA00] =	vst v2;
	v2 =	vunpack.c.0.s8.s32 v53;
	v53 =	vimm.s32 $0x7280;
	v0 =	vsel vm1, $0x5200, v0  }
0x4f: {  	v1 =	vsel vm3, $0x1200, v1;
	v53 =	vsel vm14, $0x7300, v53;
	v0 =	vsel vm2, $0x5280, v0  }
0x50: {  	v37 =	vsel vm1, $0x1280, v1;
	v1 =	vsel vm10, $0x2280, v38;
	[tilespmem:$0x1FA20] =	vst v2;
	v2 =	vunpack.c.0.s8.s32 v59  }
0x51: {  	v59 =	vsel vm14, $0x4100, v4;
	v38 =	vimm.s32 $0x1100;
	v0 =	vsel vm0, $0x5300, v0  }
0x52: {  	v1 =	vsel vm9, $0x2300, v1;
	v38 =	vsel vm14, $0x1180, v38;
	v3 =	vsel vm13, $0x4180, v59  }
0x53: {  	v59 =	vsel vm13, $0x6180, v5;
	v5 =	vsel vm13, $0x200, v6;
	v6 =	vsel vm13, $0x2200, v7  }
0x54: {  	v7 =	vsel vm13, $0x4200, v8;
	v8 =	vsel vm13, $0x6200, v9;
	v9 =	vsel vm13, $0x280, v10  }
0x55: {  	v10 =	vsel vm13, $0x2280, v11;
	v11 =	vsel vm13, $0x4280, v12;
	v12 =	vsel vm13, $0x6280, v13  }
0x56: {  	v13 =	vsel vm13, $0x300, v14;
	v14 =	vsel vm13, $0x2300, v15;
	v15 =	vsel vm13, $0x4300, v16  }
0x57: {  	v16 =	vsel vm13, $0x6300, v17;
	v17 =	vsel vm13, $0x380, v18;
	v18 =	vsel vm13, $0x2380, v19  }
0x58: {  	v19 =	vsel vm13, $0x4380, v20;
	v20 =	vsel vm13, $0x6380, v21;
	v21 =	vsel vm13, $0x1000, v24  }
0x59: {  	v24 =	vsel vm13, $0x3000, v25;
	v25 =	vsel vm13, $0x5000, v26;
	v26 =	vsel vm13, $0x7000, v27  }
0x5a: {  	v27 =	vsel vm13, $0x5080, v28;
	v28 =	vsel vm13, $0x7080, v29;
	v29 =	vsel vm13, $0x1100, v30  }
0x5b: {  	v30 =	vsel vm13, $0x3100, v31;
	v31 =	vsel vm13, $0x5100, v32;
	[tilespmem:$0x1F770] =	vst v0;
	v0 =	vsel vm3, $0x7180, v33  }
0x5c: {  	v41 =	vsel vm8, $0x2380, v1;
	v1 =	vsel vm14, $0x4080, v42;
	[tilespmem:$0x1FB10] =	vst v2;
	v2 =	vunpack.c.l.s4.s8 v60  }
0x5d: {  	v33 =	vimm.s32 $0x7000;
	v42 =	vimm.s32 $0x1180;
	v0 =	vsel vm1, $0x7200, v0  }
0x5e: {  	v1 =	vsel vm13, $0x4100, v1;
	v33 =	vsel vm14, $0x7080, v33;
	v42 =	vsel vm14, $0x1200, v42  }
0x5f: {  	v0 =	vsel vm2, $0x7280, v0;
	v1 =	vsel vm12, $0x4180, v1;
	v62 =	vunpack.c.0.s8.s32 v2  }
0x60: {  	v2 =	vsel vm12, $0x2200, v63;
	v32 =	vsel vm13, $0x7100, v33;
	v33 =	vsel vm13, $0x1180, v34  }
0x61: {  	v34 =	vsel vm13, $0x3180, v35;
	v35 =	vsel vm13, $0x5180, v36;
	v0 =	vsel vm0, $0x7300, v0  }
0x62: {  	v1 =	vsel vm11, $0x4200, v1;
	v2 =	vsel vm11, $0x2280, v2;
	[tilespmem:$0x1F7A0] =	vst v0;
	v0 =	vsel vm2, $0x1300, v37  }
0x63: {  	v1 =	vsel vm10, $0x4280, v1;
	v37 =	vimm.s32 $0x7080;
	v63 =	vsel vm10, $0x2300, v2  }
0x64: {  	v0 =	vsel vm0, $0x1380, v0;
	v1 =	vsel vm9, $0x4300, v1;
	v37 =	vsel vm14, $0x7100, v37  }
0x65: {  	[tilespmem:$0x1F7C0] =	vst v0;
	v0 =	vunpack.c.0.s8.s32 v40;
	v1 =	vsel vm8, $0x4380, v1;
	v40 =	vimm.s32 $0x5100  }
0x66: {  	v36 =	vsel vm13, $0x7180, v37;
	v37 =	vsel vm13, $0x1200, v38;
	v38 =	vsel vm13, $0x3200, v39  }
0x67: {  	v48 =	vsel vm7, $0x5000, v1;
	v1 =	vunpack.c.0.s8.s32 v49;
	v40 =	vsel vm14, $0x5180, v40  }
0x68: {  	v49 =	vimm.s32 $0x7200;
	[tilespmem:$0x1F940] =	vst v0;
	v0 =	vsel vm7, $0x3000, v41;
	v41 =	vimm.s32 $0x7100  }
0x69: {  	v49 =	vsel vm14, $0x7280, v49;
	v39 =	vsel vm13, $0x5200, v40;
	v0 =	vsel vm5, $0x3080, v0  }
0x6a: {  	[tilespmem:$0x1F9E0] =	vst v1;
	v1 =	vsel vm13, $0x6100, v51;
	v41 =	vsel vm14, $0x7180, v41;
	v51 =	vimm.s32 $0x3280  }
0x6b: {  	v0 =	vsel vm6, $0x3100, v0;
	v1 =	vsel vm12, $0x6180, v1;
	v51 =	vsel vm14, $0x3300, v51  }
0x6c: {  	v40 =	vsel vm13, $0x7200, v41;
	v41 =	vsel vm13, $0x1280, v42;
	v0 =	vsel vm4, $0x3180, v0  }
0x6d: {  	v42 =	vsel vm13, $0x3280, v43;
	v1 =	vsel vm11, $0x6200, v1;
	v0 =	vsel vm3, $0x3200, v0  }
0x6e: {  	v43 =	vsel vm13, $0x5280, v44;
	v1 =	vsel vm10, $0x6280, v1;
	v0 =	vsel vm1, $0x3280, v0  }
0x6f: {  	v44 =	vsel vm13, $0x7280, v45;
	v1 =	vsel vm9, $0x6300, v1;
	v0 =	vsel vm2, $0x3300, v0  }
0x70: {  	v45 =	vsel vm13, $0x1300, v46;
	v1 =	vsel vm8, $0x6380, v1;
	v0 =	vsel vm0, $0x3380, v0  }
0x71: {  	v46 =	vsel vm13, $0x3300, v47;
	v1 =	vsel vm7, $0x7000, v1;
	[tilespmem:$0x1F7D0] =	vst v0;
	v0 =	vsel vm5, $0x5080, v48  }
0x72: {  	v57 =	vsel vm5, $0x7080, v1;
	v1 =	vsel vm14, $0x100, v58;
	v48 =	vimm.s32 $0x5200  }
0x73: {  	v58 =	vimm.s32 $0x98765432;
	v0 =	vsel vm6, $0x5100, v0;
	v1 =	vsel vm13, $0x180, v1  }
0x74: {  	v48 =	vsel vm14, $0x5280, v48;
	v58 =	vunpack.c.l.s4.s8 v58;
	v0 =	vsel vm4, $0x5180, v0  }
0x75: {  	v1 =	vsel vm12, $0x200, v1;
	v47 =	vsel vm13, $0x5300, v48;
	v48 =	vsel vm13, $0x7300, v49  }
0x76: {  	v49 =	vsel vm13, $0x1380, v50;
	v50 =	vsel vm13, $0x3380, v51;
	v0 =	vsel vm3, $0x5200, v0  }
0x77: {  	v1 =	vsel vm11, $0x280, v1;
	v58 =	vunpack.c.0.s8.s32 v58;
	v0 =	vsel vm1, $0x5280, v0  }
0x78: {  	v51 =	vsel vm13, $0x5380, v52;
	v1 =	vsel vm10, $0x300, v1;
	v0 =	vsel vm2, $0x5300, v0  }
0x79: {  	v1 =	vsel vm9, $0x380, v1;
	v60 =	vcombine.low v58, v62;
	v0 =	vsel vm0, $0x5380, v0  }
0x7a: {  	v52 =	vsel vm13, $0x7380, v53;
	v1 =	vsel vm8, $0x1000, v1;
	[tilespmem:$0x1F7E0] =	vst v0;
	v0 =	vunpack.c.0.s8.s32 v54  }
0x7b: {  	[tilespmem:$0x1F810] =	vst v58;
	v54 =	vimm.s32 $0x1300;
	v1 =	vsel vm7, $0x1080, v1;
	v58 =	vand.u32 $0xF, v60  }
0x7c: {  	v60 =	vsel vm12, $0x4200, v3;
	v3 =	vsel vm12, $0x280, v5;
	v5 =	vsel vm12, $0x4280, v7  }
0x7d: {  	v7 =	vsel vm12, $0x300, v9;
	v9 =	vsel vm12, $0x4300, v11;
	v11 =	vsel vm12, $0x380, v13  }
0x7e: {  	v13 =	vsel vm12, $0x4380, v15;
	v15 =	vsel vm12, $0x1000, v17;
	v17 =	vsel vm12, $0x5000, v19  }
0x7f: {  	v19 =	vsel vm12, $0x1080, v21;
	v21 =	vsel vm12, $0x5080, v25;
	v25 =	vsel vm12, $0x5100, v27  }
0x80: {  	v27 =	vsel vm12, $0x1180, v29;
	v29 =	vsel vm12, $0x5180, v31;
	v31 =	vsel vm12, $0x1200, v33  }
0x81: {  	v33 =	vsel vm12, $0x5200, v35;
	v35 =	vsel vm12, $0x1280, v37;
	v37 =	vsel vm12, $0x5280, v39  }
0x82: {  	v39 =	vsel vm12, $0x1300, v41;
	v41 =	vsel vm12, $0x5300, v43;
	v43 =	vsel vm12, $0x1380, v45  }
0x83: {  	v45 =	vsel vm12, $0x5380, v47;
	v47 =	vsel vm12, $0x0, v49;
	v54 =	vsel vm14, $0x1380, v54  }
0x84: {  	v1 =	vsel vm5, $0x1100, v1;
	v2 =	vsel vm11, $0x4280, v60;
	v60 =	vimm.s32 $0x1D1C1B1A  }
0x85: {  	v3 =	vsel vm11, $0x300, v3;
	v5 =	vsel vm11, $0x4300, v5;
	v7 =	vsel vm11, $0x380, v7  }
0x86: {  	v9 =	vsel vm11, $0x4380, v9;
	v11 =	vsel vm11, $0x1000, v11;
	v13 =	vsel vm11, $0x5000, v13  }
0x87: {  	v15 =	vsel vm11, $0x1080, v15;
	v17 =	vsel vm11, $0x5080, v17;
	v19 =	vsel vm11, $0x1100, v19  }
0x88: {  	v21 =	vsel vm11, $0x5100, v21;
	v25 =	vsel vm11, $0x5180, v25;
	v27 =	vsel vm11, $0x1200, v27  }
0x89: {  	v29 =	vsel vm11, $0x5200, v29;
	v31 =	vsel vm11, $0x1280, v31;
	v33 =	vsel vm11, $0x5280, v33  }
0x8a: {  	v35 =	vsel vm11, $0x1300, v35;
	v37 =	vsel vm11, $0x5300, v37;
	v39 =	vsel vm11, $0x1380, v39  }
0x8b: {  	v41 =	vsel vm11, $0x5380, v41;
	v43 =	vsel vm11, $0x0, v43;
	v45 =	vsel vm11, $0x4000, v45  }
0x8c: {  	v47 =	vsel vm11, $0x80, v47;
	[tilespmem:$0x1FA40] =	vst v0;
	v0 =	vunpack.c.0.s8.s32 v55;
	v55 =	vimm.s32 $0x3300  }
0x8d: {  	[tilespmem:$0x1F800] =	vst v62;
	v53 =	vsel vm13, $0x0, v54;
	v62 =	vsel vm6, $0x1180, v1;
	v1 =	vsel vm9, $0x2380, v63  }
0x8e: {  	v2 =	vsel vm10, $0x4300, v2;
	v3 =	vsel vm10, $0x380, v3;
	v5 =	vsel vm10, $0x4380, v5  }
0x8f: {  	v7 =	vsel vm10, $0x1000, v7;
	v9 =	vsel vm10, $0x5000, v9;
	v11 =	vsel vm10, $0x1080, v11  }
0x90: {  	v13 =	vsel vm10, $0x5080, v13;
	v15 =	vsel vm10, $0x1100, v15;
	v17 =	vsel vm10, $0x5100, v17  }
0x91: {  	v19 =	vsel vm10, $0x1180, v19;
	v21 =	vsel vm10, $0x5180, v21;
	v25 =	vsel vm10, $0x5200, v25  }
0x92: {  	v27 =	vsel vm10, $0x1280, v27;
	v29 =	vsel vm10, $0x5280, v29;
	v31 =	vsel vm10, $0x1300, v31  }
0x93: {  	v33 =	vsel vm10, $0x5300, v33;
	v35 =	vsel vm10, $0x1380, v35;
	v37 =	vsel vm10, $0x5380, v37  }
0x94: {  	v39 =	vsel vm10, $0x0, v39;
	v41 =	vsel vm10, $0x4000, v41;
	v43 =	vsel vm10, $0x80, v43  }
0x95: {  	v45 =	vsel vm10, $0x4080, v45;
	v47 =	vsel vm10, $0x100, v47;
	v55 =	vsel vm14, $0x3380, v55  }
0x96: {  	v1 =	vsel vm8, $0x3000, v1;
	v63 =	vsel vm12, $0x80, v53;
	v3 =	vsel vm9, $0x1000, v3  }
0x97: {  	v5 =	vsel vm9, $0x5000, v5;
	v7 =	vsel vm9, $0x1080, v7;
	v9 =	vsel vm9, $0x5080, v9  }
0x98: {  	v11 =	vsel vm9, $0x1100, v11;
	v13 =	vsel vm9, $0x5100, v13;
	v15 =	vsel vm9, $0x1180, v15  }
0x99: {  	v17 =	vsel vm9, $0x5180, v17;
	v19 =	vsel vm9, $0x1200, v19;
	v21 =	vsel vm9, $0x5200, v21  }
0x9a: {  	v25 =	vsel vm9, $0x5280, v25;
	v27 =	vsel vm9, $0x1300, v27;
	v29 =	vsel vm9, $0x5300, v29  }
0x9b: {  	v31 =	vsel vm9, $0x1380, v31;
	v33 =	vsel vm9, $0x5380, v33;
	v35 =	vsel vm9, $0x0, v35  }
0x9c: {  	v37 =	vsel vm9, $0x4000, v37;
	v39 =	vsel vm9, $0x80, v39;
	v41 =	vsel vm9, $0x4080, v41  }
0x9d: {  	v43 =	vsel vm9, $0x100, v43;
	v45 =	vsel vm9, $0x4100, v45;
	v47 =	vsel vm9, $0x180, v47  }
0x9e: {  	[tilespmem:$0x1FA60] =	vst v0;
	v0 =	vunpack.c.0.s8.s32 v56;
	v56 =	vimm.s32 $0x5300;
	v54 =	vsel vm13, $0x2000, v55  }
0x9f: {  	v1 =	vsel vm7, $0x3080, v1;
	v3 =	vsel vm8, $0x1080, v3;
	v5 =	vsel vm8, $0x5080, v5  }
0xa0: {  	v7 =	vsel vm8, $0x1100, v7;
	v9 =	vsel vm8, $0x5100, v9;
	v11 =	vsel vm8, $0x1180, v11  }
0xa1: {  	v13 =	vsel vm8, $0x5180, v13;
	v15 =	vsel vm8, $0x1200, v15;
	v17 =	vsel vm8, $0x5200, v17  }
0xa2: {  	v19 =	vsel vm8, $0x1280, v19;
	v21 =	vsel vm8, $0x5280, v21;
	v25 =	vsel vm8, $0x5300, v25  }
0xa3: {  	v27 =	vsel vm8, $0x1380, v27;
	v29 =	vsel vm8, $0x5380, v29;
	v31 =	vsel vm8, $0x0, v31  }
0xa4: {  	v33 =	vsel vm8, $0x4000, v33;
	v35 =	vsel vm8, $0x80, v35;
	v37 =	vsel vm8, $0x4080, v37  }
0xa5: {  	v39 =	vsel vm8, $0x100, v39;
	v41 =	vsel vm8, $0x4100, v41;
	v43 =	vsel vm8, $0x180, v43  }
0xa6: {  	v45 =	vsel vm8, $0x4180, v45;
	v47 =	vsel vm8, $0x200, v47;
	v56 =	vsel vm14, $0x5380, v56  }
0xa7: {  	v1 =	vsel vm5, $0x3100, v1;
	[tilespmem:$0x1FD10] =	vst v0;
	v0 =	vsel vm6, $0x7100, v57;
	v57 =	vimm.s32 $0x7300  }
0xa8: {  	v55 =	vsel vm13, $0x4000, v56;
	v0 =	vsel vm4, $0x7180, v0;
	v57 =	vsel vm14, $0x7380, v57  }
0xa9: {  	[tilespmem:$0x1F830] =	vst v58;
	v58 =	vsel vm12, $0x4080, v55;
	v55 =	vunpack.c.0.s8.s32 v60;
	v0 =	vsel vm3, $0x7200, v0  }
0xaa: {  	v56 =	vsel vm13, $0x6000, v57;
	v53 =	vsel vm11, $0x4100, v58;
	v0 =	vsel vm1, $0x7280, v0  }
0xab: {  	v57 =	vsel vm12, $0x2080, v54;
	v53 =	vsel vm10, $0x4180, v53;
	v4 =	vsel vm2, $0x7300, v0  }
0xac: {  	v0 =	vsel vm4, $0x1200, v62;
	v62 =	vsel vm12, $0x6000, v52;
	v52 =	vsel vm11, $0x2100, v57  }
0xad: {  	v53 =	vsel vm9, $0x4200, v53;
	v57 =	vimm.s32 $0x2D2C2B2A;
	v61 =	vsel vm0, $0x7380, v4  }
0xae: {  	v0 =	vsel vm3, $0x1280, v0;
	v4 =	vsel vm12, $0x2280, v6;
	v6 =	vsel vm12, $0x6280, v8  }
0xaf: {  	v8 =	vsel vm12, $0x2300, v10;
	v10 =	vsel vm12, $0x6300, v12;
	v12 =	vsel vm12, $0x2380, v14  }
0xb0: {  	v14 =	vsel vm12, $0x6380, v16;
	v16 =	vsel vm12, $0x3000, v18;
	v18 =	vsel vm12, $0x7000, v20  }
0xb1: {  	v20 =	vsel vm12, $0x3080, v24;
	v24 =	vsel vm12, $0x7080, v26;
	v26 =	vsel vm12, $0x7100, v28  }
0xb2: {  	v28 =	vsel vm12, $0x3180, v30;
	v30 =	vsel vm12, $0x7180, v32;
	v32 =	vsel vm12, $0x3200, v34  }
0xb3: {  	v34 =	vsel vm12, $0x7200, v36;
	v36 =	vsel vm12, $0x3280, v38;
	v38 =	vsel vm12, $0x7280, v40  }
0xb4: {  	v40 =	vsel vm12, $0x3300, v42;
	v42 =	vsel vm12, $0x7300, v44;
	v44 =	vsel vm12, $0x3380, v46  }
0xb5: {  	v46 =	vsel vm12, $0x7380, v48;
	v48 =	vsel vm12, $0x2000, v50;
	v50 =	vsel vm11, $0x6080, v62  }
0xb6: {  	v52 =	vsel vm10, $0x2180, v52;
	v62 =	vimm.s32 $0x15141312;
	v53 =	vsel vm8, $0x4280, v53  }
0xb7: {  	v58 =	vunpack.c.0.s8.s32 v57;
	[tilespmem:$0x1F820] =	vst v61;
	v0 =	vsel vm1, $0x1300, v0;
	v61 =	vsel vm12, $0x4000, v51  }
0xb8: {  	v4 =	vsel vm11, $0x2300, v4;
	v6 =	vsel vm11, $0x6300, v6;
	v8 =	vsel vm11, $0x2380, v8  }
0xb9: {  	v10 =	vsel vm11, $0x6380, v10;
	v12 =	vsel vm11, $0x3000, v12;
	v14 =	vsel vm11, $0x7000, v14  }
0xba: {  	v16 =	vsel vm11, $0x3080, v16;
	v18 =	vsel vm11, $0x7080, v18;
	v20 =	vsel vm11, $0x3100, v20  }
0xbb: {  	v24 =	vsel vm11, $0x7100, v24;
	v26 =	vsel vm11, $0x7180, v26;
	v28 =	vsel vm11, $0x3200, v28  }
0xbc: {  	v30 =	vsel vm11, $0x7200, v30;
	v32 =	vsel vm11, $0x3280, v32;
	v34 =	vsel vm11, $0x7280, v34  }
0xbd: {  	v36 =	vsel vm11, $0x3300, v36;
	v38 =	vsel vm11, $0x7300, v38;
	v40 =	vsel vm11, $0x3380, v40  }
0xbe: {  	v42 =	vsel vm11, $0x7380, v42;
	v44 =	vsel vm11, $0x2000, v44;
	v46 =	vsel vm11, $0x6000, v46  }
0xbf: {  	v48 =	vsel vm11, $0x2080, v48;
	v51 =	vsel vm11, $0x100, v63;
	v50 =	vsel vm10, $0x6100, v50  }
0xc0: {  	v52 =	vsel vm9, $0x2200, v52;
	v63 =	vimm.s32 $0x19181716;
	v0 =	vsel vm2, $0x1380, v0  }
0xc1: {  	v49 =	vsel vm11, $0x4080, v61;
	v61 =	vimm.s32 $0x11101F1E;
	v4 =	vsel vm10, $0x2380, v4  }
0xc2: {  	v6 =	vsel vm10, $0x6380, v6;
	v8 =	vsel vm10, $0x3000, v8;
	v10 =	vsel vm10, $0x7000, v10  }
0xc3: {  	v12 =	vsel vm10, $0x3080, v12;
	v14 =	vsel vm10, $0x7080, v14;
	v16 =	vsel vm10, $0x3100, v16  }
0xc4: {  	v18 =	vsel vm10, $0x7100, v18;
	v20 =	vsel vm10, $0x3180, v20;
	v24 =	vsel vm10, $0x7180, v24  }
0xc5: {  	v26 =	vsel vm10, $0x7200, v26;
	v28 =	vsel vm10, $0x3280, v28;
	v30 =	vsel vm10, $0x7280, v30  }
0xc6: {  	v32 =	vsel vm10, $0x3300, v32;
	v34 =	vsel vm10, $0x7300, v34;
	v36 =	vsel vm10, $0x3380, v36  }
0xc7: {  	v38 =	vsel vm10, $0x7380, v38;
	v40 =	vsel vm10, $0x2000, v40;
	v42 =	vsel vm10, $0x6000, v42  }
0xc8: {  	v44 =	vsel vm10, $0x2080, v44;
	v46 =	vsel vm10, $0x6080, v46;
	v48 =	vsel vm10, $0x2100, v48  }
0xc9: {  	[tilespmem:$0x1FD30] =	vst v55;
	v51 =	vsel vm10, $0x180, v51;
	v50 =	vsel vm9, $0x6180, v50;
	v52 =	vsel vm8, $0x2280, v52  }
0xca: {  	[tilespmem:$0x1FDD0] =	vst v58;
	v58 =	vimm.s32 $0x21202F2E;
	v0 =	vsel vm0, $0x0, v0;
	v55 =	vunpack.c.0.s8.s32 v61  }
0xcb: {  	v49 =	vsel vm10, $0x4100, v49;
	v4 =	vsel vm9, $0x3000, v4;
	v6 =	vsel vm9, $0x7000, v6  }
0xcc: {  	v8 =	vsel vm9, $0x3080, v8;
	v10 =	vsel vm9, $0x7080, v10;
	v12 =	vsel vm9, $0x3100, v12  }
0xcd: {  	v14 =	vsel vm9, $0x7100, v14;
	v16 =	vsel vm9, $0x3180, v16;
	v18 =	vsel vm9, $0x7180, v18  }
0xce: {  	v20 =	vsel vm9, $0x3200, v20;
	v24 =	vsel vm9, $0x7200, v24;
	v26 =	vsel vm9, $0x7280, v26  }
0xcf: {  	v28 =	vsel vm9, $0x3300, v28;
	v30 =	vsel vm9, $0x7300, v30;
	v32 =	vsel vm9, $0x3380, v32  }
0xd0: {  	v34 =	vsel vm9, $0x7380, v34;
	v36 =	vsel vm9, $0x2000, v36;
	v38 =	vsel vm9, $0x6000, v38  }
0xd1: {  	v40 =	vsel vm9, $0x2080, v40;
	v42 =	vsel vm9, $0x6080, v42;
	v44 =	vsel vm9, $0x2100, v44  }
0xd2: {  	v46 =	vsel vm9, $0x6100, v46;
	v48 =	vsel vm9, $0x2180, v48;
	v51 =	vsel vm9, $0x200, v51  }
0xd3: {  	v50 =	vsel vm8, $0x6200, v50;
	v61 =	vsel vm7, $0x2300, v52;
	[tilespmem:$0x1F840] =	vst v0;
	v0 =	vsel vm6, $0x3180, v1  }
0xd4: {  	v1 =	vsel vm9, $0x4380, v2;
	v2 =	vsel vm12, $0x6200, v59;
	v59 =	vsel vm12, $0x6080, v56  }
0xd5: {  	v49 =	vsel vm9, $0x4180, v49;
	v4 =	vsel vm8, $0x3080, v4;
	v6 =	vsel vm8, $0x7080, v6  }
0xd6: {  	v8 =	vsel vm8, $0x3100, v8;
	v10 =	vsel vm8, $0x7100, v10;
	v12 =	vsel vm8, $0x3180, v12  }
0xd7: {  	v14 =	vsel vm8, $0x7180, v14;
	v16 =	vsel vm8, $0x3200, v16;
	v18 =	vsel vm8, $0x7200, v18  }
0xd8: {  	v20 =	vsel vm8, $0x3280, v20;
	v24 =	vsel vm8, $0x7280, v24;
	v26 =	vsel vm8, $0x7300, v26  }
0xd9: {  	v28 =	vsel vm8, $0x3380, v28;
	v30 =	vsel vm8, $0x7380, v30;
	v32 =	vsel vm8, $0x2000, v32  }
0xda: {  	v34 =	vsel vm8, $0x6000, v34;
	v36 =	vsel vm8, $0x2080, v36;
	v38 =	vsel vm8, $0x6080, v38  }
0xdb: {  	v40 =	vsel vm8, $0x2100, v40;
	v42 =	vsel vm8, $0x6100, v42;
	v44 =	vsel vm8, $0x2180, v44  }
0xdc: {  	v46 =	vsel vm8, $0x6180, v46;
	v48 =	vsel vm8, $0x2200, v48;
	v51 =	vsel vm8, $0x280, v51  }
0xdd: {  	v0 =	vsel vm4, $0x3200, v0;
	v1 =	vsel vm8, $0x5000, v1;
	v2 =	vsel vm11, $0x6280, v2  }
0xde: {  	v54 =	vsel vm11, $0x6100, v59;
	[tilespmem:$0x1FD20] =	vst v55;
	v55 =	vunpack.c.0.s8.s32 v62;
	v62 =	vunpack.c.0.s8.s32 v63  }
0xdf: {  	v49 =	vsel vm8, $0x4200, v49;
	v59 =	vsel vm7, $0x6280, v50;
	v60 =	vsel vm7, $0x300, v51  }
0xe0: {  	v63 =	vsel vm7, $0x4300, v53;
	v51 =	vsel vm5, $0x2380, v61;
	v0 =	vsel vm3, $0x3280, v0  }
0xe1: {  	v1 =	vsel vm7, $0x5080, v1;
	v2 =	vsel vm10, $0x6300, v2;
	v54 =	vsel vm10, $0x6180, v54  }
0xe2: {  	v50 =	vsel vm5, $0x380, v60;
	v52 =	vsel vm5, $0x4380, v63;
	v51 =	vsel vm6, $0x3000, v51  }
0xe3: {  	v60 =	vimm.s32 $0x29282726;
	v63 =	vimm.s32 $0x3D3C3B3A;
	v0 =	vsel vm1, $0x3300, v0  }
0xe4: {  	v1 =	vsel vm5, $0x5100, v1;
	v2 =	vsel vm9, $0x6380, v2;
	v54 =	vsel vm9, $0x6200, v54  }
0xe5: {  	v50 =	vsel vm6, $0x1000, v50;
	v52 =	vsel vm6, $0x5000, v52;
	v61 =	vunpack.c.0.s8.s32 v60  }
0xe6: {  	v51 =	vsel vm4, $0x3080, v51;
	v0 =	vsel vm2, $0x3380, v0;
	v1 =	vsel vm6, $0x5180, v1  }
0xe7: {  	v2 =	vsel vm8, $0x7000, v2;
	v54 =	vsel vm8, $0x6280, v54;
	v50 =	vsel vm4, $0x1080, v50  }
0xe8: {  	v52 =	vsel vm4, $0x5080, v52;
	v0 =	vsel vm0, $0x2000, v0;
	v57 =	vsel vm7, $0x6300, v54  }
0xe9: {  	v54 =	vunpack.c.0.s8.s32 v58;
	v58 =	vunpack.c.0.s8.s32 v63;
	[tilespmem:$0x1F850] =	vst v0;
	v0 =	vsel vm4, $0x5200, v1  }
0xea: {  	v1 =	vsel vm7, $0x7080, v2;
	v2 =	vsel vm7, $0x1100, v3;
	v3 =	vsel vm7, $0x3100, v4  }
0xeb: {  	v4 =	vsel vm7, $0x5100, v5;
	v5 =	vsel vm7, $0x7100, v6;
	v6 =	vsel vm7, $0x1180, v7  }
0xec: {  	v7 =	vsel vm7, $0x3180, v8;
	v8 =	vsel vm7, $0x5180, v9;
	v9 =	vsel vm7, $0x7180, v10  }
0xed: {  	v10 =	vsel vm7, $0x1200, v11;
	v11 =	vsel vm7, $0x3200, v12;
	v12 =	vsel vm7, $0x5200, v13  }
0xee: {  	v13 =	vsel vm7, $0x7200, v14;
	v14 =	vsel vm7, $0x1280, v15;
	v15 =	vsel vm7, $0x3280, v16  }
0xef: {  	v16 =	vsel vm7, $0x5280, v17;
	v17 =	vsel vm7, $0x7280, v18;
	v18 =	vsel vm7, $0x1300, v19  }
0xf0: {  	v19 =	vsel vm7, $0x3300, v20;
	v20 =	vsel vm7, $0x5300, v21;
	v21 =	vsel vm7, $0x7300, v24  }
0xf1: {  	v24 =	vsel vm7, $0x5380, v25;
	v25 =	vsel vm7, $0x7380, v26;
	v26 =	vsel vm7, $0x0, v27  }
0xf2: {  	v27 =	vsel vm7, $0x2000, v28;
	v28 =	vsel vm7, $0x4000, v29;
	v29 =	vsel vm7, $0x6000, v30  }
0xf3: {  	v30 =	vsel vm7, $0x80, v31;
	v31 =	vsel vm7, $0x2080, v32;
	v32 =	vsel vm7, $0x4080, v33  }
0xf4: {  	v33 =	vsel vm7, $0x6080, v34;
	v34 =	vsel vm7, $0x100, v35;
	v35 =	vsel vm7, $0x2100, v36  }
0xf5: {  	v36 =	vsel vm7, $0x4100, v37;
	v37 =	vsel vm7, $0x6100, v38;
	v38 =	vsel vm7, $0x180, v39  }
0xf6: {  	v39 =	vsel vm7, $0x2180, v40;
	v40 =	vsel vm7, $0x4180, v41;
	v41 =	vsel vm7, $0x6180, v42  }
0xf7: {  	v42 =	vsel vm7, $0x200, v43;
	v43 =	vsel vm7, $0x2200, v44;
	v44 =	vsel vm7, $0x4200, v45  }
0xf8: {  	v45 =	vsel vm7, $0x6200, v46;
	v46 =	vsel vm7, $0x280, v47;
	v47 =	vsel vm7, $0x2280, v48  }
0xf9: {  	v48 =	vsel vm7, $0x4280, v49;
	v49 =	vsel vm5, $0x6300, v59;
	v53 =	vsel vm5, $0x6380, v57  }
0xfa: {  	v59 =	vimm.s32 $0x25242322;
	v0 =	vsel vm3, $0x5280, v0;
	v1 =	vsel vm5, $0x7100, v1  }
0xfb: {  	v2 =	vsel vm5, $0x1180, v2;
	v3 =	vsel vm5, $0x3180, v3;
	v4 =	vsel vm5, $0x5180, v4  }
0xfc: {  	v5 =	vsel vm5, $0x7180, v5;
	v6 =	vsel vm5, $0x1200, v6;
	v7 =	vsel vm5, $0x3200, v7  }
0xfd: {  	v8 =	vsel vm5, $0x5200, v8;
	v9 =	vsel vm5, $0x7200, v9;
	v10 =	vsel vm5, $0x1280, v10  }
0xfe: {  	v11 =	vsel vm5, $0x3280, v11;
	v12 =	vsel vm5, $0x5280, v12;
	v13 =	vsel vm5, $0x7280, v13  }
0xff: {  	v14 =	vsel vm5, $0x1300, v14;
	v15 =	vsel vm5, $0x3300, v15;
	v16 =	vsel vm5, $0x5300, v16  }
0x100: {  	v17 =	vsel vm5, $0x7300, v17;
	v18 =	vsel vm5, $0x1380, v18;
	v19 =	vsel vm5, $0x3380, v19  }
0x101: {  	v20 =	vsel vm5, $0x5380, v20;
	v21 =	vsel vm5, $0x7380, v21;
	v24 =	vsel vm5, $0x4000, v24  }
0x102: {  	v25 =	vsel vm5, $0x6000, v25;
	v26 =	vsel vm5, $0x80, v26;
	v27 =	vsel vm5, $0x2080, v27  }
0x103: {  	v28 =	vsel vm5, $0x4080, v28;
	v29 =	vsel vm5, $0x6080, v29;
	v30 =	vsel vm5, $0x100, v30  }
0x104: {  	v31 =	vsel vm5, $0x2100, v31;
	v32 =	vsel vm5, $0x4100, v32;
	v33 =	vsel vm5, $0x6100, v33  }
0x105: {  	v34 =	vsel vm5, $0x180, v34;
	v35 =	vsel vm5, $0x2180, v35;
	v36 =	vsel vm5, $0x4180, v36  }
0x106: {  	v37 =	vsel vm5, $0x6180, v37;
	v38 =	vsel vm5, $0x200, v38;
	v39 =	vsel vm5, $0x2200, v39  }
0x107: {  	v40 =	vsel vm5, $0x4200, v40;
	v41 =	vsel vm5, $0x6200, v41;
	v42 =	vsel vm5, $0x280, v42  }
0x108: {  	v43 =	vsel vm5, $0x2280, v43;
	v44 =	vsel vm5, $0x4280, v44;
	v45 =	vsel vm5, $0x6280, v45  }
0x109: {  	v46 =	vsel vm5, $0x300, v46;
	v47 =	vsel vm5, $0x2300, v47;
	v48 =	vsel vm5, $0x4300, v48  }
0x10a: {  	v49 =	vsel vm6, $0x6380, v49;
	v53 =	vsel vm6, $0x7000, v53;
	v59 =	vunpack.c.0.s8.s32 v59  }
0x10b: {  	v0 =	vsel vm1, $0x5300, v0;
	v1 =	vsel vm6, $0x7180, v1;
	v2 =	vsel vm6, $0x1200, v2  }
0x10c: {  	v3 =	vsel vm6, $0x3200, v3;
	v4 =	vsel vm6, $0x5200, v4;
	v5 =	vsel vm6, $0x7200, v5  }
0x10d: {  	v6 =	vsel vm6, $0x1280, v6;
	v7 =	vsel vm6, $0x3280, v7;
	v8 =	vsel vm6, $0x5280, v8  }
0x10e: {  	v9 =	vsel vm6, $0x7280, v9;
	v10 =	vsel vm6, $0x1300, v10;
	v11 =	vsel vm6, $0x3300, v11  }
0x10f: {  	v12 =	vsel vm6, $0x5300, v12;
	v13 =	vsel vm6, $0x7300, v13;
	v14 =	vsel vm6, $0x1380, v14  }
0x110: {  	v15 =	vsel vm6, $0x3380, v15;
	v16 =	vsel vm6, $0x5380, v16;
	v17 =	vsel vm6, $0x7380, v17  }
0x111: {  	v18 =	vsel vm6, $0x0, v18;
	v19 =	vsel vm6, $0x2000, v19;
	v20 =	vsel vm6, $0x4000, v20  }
0x112: {  	v21 =	vsel vm6, $0x6000, v21;
	v24 =	vsel vm6, $0x4080, v24;
	v25 =	vsel vm6, $0x6080, v25  }
0x113: {  	v26 =	vsel vm6, $0x100, v26;
	v27 =	vsel vm6, $0x2100, v27;
	v28 =	vsel vm6, $0x4100, v28  }
0x114: {  	v29 =	vsel vm6, $0x6100, v29;
	v30 =	vsel vm6, $0x180, v30;
	v31 =	vsel vm6, $0x2180, v31  }
0x115: {  	v32 =	vsel vm6, $0x4180, v32;
	v33 =	vsel vm6, $0x6180, v33;
	v34 =	vsel vm6, $0x200, v34  }
0x116: {  	v35 =	vsel vm6, $0x2200, v35;
	v36 =	vsel vm6, $0x4200, v36;
	v37 =	vsel vm6, $0x6200, v37  }
0x117: {  	v38 =	vsel vm6, $0x280, v38;
	v39 =	vsel vm6, $0x2280, v39;
	v40 =	vsel vm6, $0x4280, v40  }
0x118: {  	v41 =	vsel vm6, $0x6280, v41;
	v42 =	vsel vm6, $0x300, v42;
	v43 =	vsel vm6, $0x2300, v43  }
0x119: {  	v44 =	vsel vm6, $0x4300, v44;
	v45 =	vsel vm6, $0x6300, v45;
	v46 =	vsel vm6, $0x380, v46  }
0x11a: {  	v47 =	vsel vm6, $0x2380, v47;
	v48 =	vsel vm6, $0x4380, v48;
	v49 =	vsel vm4, $0x7000, v49  }
0x11b: {  	v53 =	vsel vm4, $0x7080, v53;
	v0 =	vsel vm2, $0x5380, v0;
	v1 =	vsel vm4, $0x7200, v1  }
0x11c: {  	v2 =	vsel vm4, $0x1280, v2;
	v3 =	vsel vm4, $0x3280, v3;
	v4 =	vsel vm4, $0x5280, v4  }
0x11d: {  	v5 =	vsel vm4, $0x7280, v5;
	v6 =	vsel vm4, $0x1300, v6;
	v7 =	vsel vm4, $0x3300, v7  }
0x11e: {  	v8 =	vsel vm4, $0x5300, v8;
	v9 =	vsel vm4, $0x7300, v9;
	v10 =	vsel vm4, $0x1380, v10  }
0x11f: {  	v11 =	vsel vm4, $0x3380, v11;
	v12 =	vsel vm4, $0x5380, v12;
	v13 =	vsel vm4, $0x7380, v13  }
0x120: {  	v14 =	vsel vm4, $0x0, v14;
	v15 =	vsel vm4, $0x2000, v15;
	v16 =	vsel vm4, $0x4000, v16  }
0x121: {  	v17 =	vsel vm4, $0x6000, v17;
	v18 =	vsel vm4, $0x80, v18;
	v19 =	vsel vm4, $0x2080, v19  }
0x122: {  	v20 =	vsel vm4, $0x4080, v20;
	v21 =	vsel vm4, $0x6080, v21;
	v24 =	vsel vm4, $0x4100, v24  }
0x123: {  	v25 =	vsel vm4, $0x6100, v25;
	v26 =	vsel vm4, $0x180, v26;
	v27 =	vsel vm4, $0x2180, v27  }
0x124: {  	v28 =	vsel vm4, $0x4180, v28;
	v29 =	vsel vm4, $0x6180, v29;
	v30 =	vsel vm4, $0x200, v30  }
0x125: {  	v31 =	vsel vm4, $0x2200, v31;
	v32 =	vsel vm4, $0x4200, v32;
	v33 =	vsel vm4, $0x6200, v33  }
0x126: {  	v34 =	vsel vm4, $0x280, v34;
	v35 =	vsel vm4, $0x2280, v35;
	v36 =	vsel vm4, $0x4280, v36  }
0x127: {  	v37 =	vsel vm4, $0x6280, v37;
	v38 =	vsel vm4, $0x300, v38;
	v39 =	vsel vm4, $0x2300, v39  }
0x128: {  	v40 =	vsel vm4, $0x4300, v40;
	v41 =	vsel vm4, $0x6300, v41;
	v42 =	vsel vm4, $0x380, v42  }
0x129: {  	v43 =	vsel vm4, $0x2380, v43;
	v44 =	vsel vm4, $0x4380, v44;
	v45 =	vsel vm4, $0x6380, v45  }
0x12a: {  	v46 =	vsel vm4, $0x1000, v46;
	v47 =	vsel vm4, $0x3000, v47;
	v48 =	vsel vm4, $0x5000, v48  }
0x12b: {  	v63 =	vsel vm3, $0x7100, v53;
	v0 =	vsel vm0, $0x4000, v0;
	v57 =	vsel vm3, $0x7280, v1  }
0x12c: {  	[tilespmem:$0x1FDE0] =	vst v61;
	v1 =	vsel vm3, $0x1300, v2;
	v60 =	vsel vm3, $0x3300, v3;
	v61 =	vsel vm3, $0x5300, v4  }
0x12d: {  	v4 =	vsel vm3, $0x7300, v5;
	v5 =	vsel vm3, $0x1380, v6;
	v6 =	vsel vm3, $0x3380, v7  }
0x12e: {  	v7 =	vsel vm3, $0x5380, v8;
	v8 =	vsel vm3, $0x7380, v9;
	v9 =	vsel vm3, $0x0, v10  }
0x12f: {  	v10 =	vsel vm3, $0x2000, v11;
	v11 =	vsel vm3, $0x4000, v12;
	v12 =	vsel vm3, $0x6000, v13  }
0x130: {  	v13 =	vsel vm3, $0x80, v14;
	v14 =	vsel vm3, $0x2080, v15;
	v15 =	vsel vm3, $0x4080, v16  }
0x131: {  	v16 =	vsel vm3, $0x6080, v17;
	v17 =	vsel vm3, $0x100, v18;
	v18 =	vsel vm3, $0x2100, v19  }
0x132: {  	v19 =	vsel vm3, $0x4100, v20;
	v20 =	vsel vm3, $0x6100, v21;
	v21 =	vsel vm3, $0x180, v22  }
0x133: {  	v22 =	vsel vm3, $0x2180, v23;
	v23 =	vsel vm3, $0x4180, v24;
	v24 =	vsel vm3, $0x6180, v25  }
0x134: {  	v25 =	vsel vm3, $0x200, v26;
	v26 =	vsel vm3, $0x2200, v27;
	v27 =	vsel vm3, $0x4200, v28  }
0x135: {  	v28 =	vsel vm3, $0x6200, v29;
	v29 =	vsel vm3, $0x280, v30;
	v30 =	vsel vm3, $0x2280, v31  }
0x136: {  	v31 =	vsel vm3, $0x4280, v32;
	v32 =	vsel vm3, $0x6280, v33;
	v33 =	vsel vm3, $0x300, v34  }
0x137: {  	v34 =	vsel vm3, $0x2300, v35;
	v35 =	vsel vm3, $0x4300, v36;
	v36 =	vsel vm3, $0x6300, v37  }
0x138: {  	v37 =	vsel vm3, $0x380, v38;
	v38 =	vsel vm3, $0x2380, v39;
	v39 =	vsel vm3, $0x4380, v40  }
0x139: {  	v40 =	vsel vm3, $0x6380, v41;
	v41 =	vsel vm3, $0x1000, v42;
	v42 =	vsel vm3, $0x3000, v43  }
0x13a: {  	v43 =	vsel vm3, $0x5000, v44;
	v44 =	vsel vm3, $0x7000, v45;
	v45 =	vsel vm3, $0x1080, v46  }
0x13b: {  	v46 =	vsel vm3, $0x3080, v47;
	v47 =	vsel vm3, $0x5080, v48;
	v48 =	vsel vm3, $0x7080, v49  }
0x13c: {  	v49 =	vsel vm3, $0x1100, v50;
	v50 =	vsel vm3, $0x3100, v51;
	v51 =	vsel vm3, $0x5100, v52  }
0x13d: {  	v52 =	vsel vm1, $0x7180, v63;
	v63 =	vimm.s32 $0x210FEDCB;
	[tilespmem:$0x1F860] =	vst v0;
	v0 =	vsel vm1, $0x7300, v57  }
0x13e: {  	v57 =	vimm.s32 $0x31303F3E;
	v1 =	vsel vm1, $0x1380, v1;
	v2 =	vsel vm1, $0x3380, v60  }
0x13f: {  	v3 =	vsel vm1, $0x5380, v61;
	v4 =	vsel vm1, $0x7380, v4;
	v5 =	vsel vm1, $0x0, v5  }
0x140: {  	v6 =	vsel vm1, $0x2000, v6;
	v7 =	vsel vm1, $0x4000, v7;
	v8 =	vsel vm1, $0x6000, v8  }
0x141: {  	v9 =	vsel vm1, $0x80, v9;
	v10 =	vsel vm1, $0x2080, v10;
	v11 =	vsel vm1, $0x4080, v11  }
0x142: {  	v12 =	vsel vm1, $0x6080, v12;
	v13 =	vsel vm1, $0x100, v13;
	v14 =	vsel vm1, $0x2100, v14  }
0x143: {  	v15 =	vsel vm1, $0x4100, v15;
	v16 =	vsel vm1, $0x6100, v16;
	v17 =	vsel vm1, $0x180, v17  }
0x144: {  	v18 =	vsel vm1, $0x2180, v18;
	v19 =	vsel vm1, $0x4180, v19;
	v20 =	vsel vm1, $0x6180, v20  }
0x145: {  	v21 =	vsel vm1, $0x200, v21;
	v22 =	vsel vm1, $0x2200, v22;
	v23 =	vsel vm1, $0x4200, v23  }
0x146: {  	v24 =	vsel vm1, $0x6200, v24;
	v25 =	vsel vm1, $0x280, v25;
	v26 =	vsel vm1, $0x2280, v26  }
0x147: {  	v27 =	vsel vm1, $0x4280, v27;
	v28 =	vsel vm1, $0x6280, v28;
	v29 =	vsel vm1, $0x300, v29  }
0x148: {  	v30 =	vsel vm1, $0x2300, v30;
	v31 =	vsel vm1, $0x4300, v31;
	v32 =	vsel vm1, $0x6300, v32  }
0x149: {  	v33 =	vsel vm1, $0x380, v33;
	v34 =	vsel vm1, $0x2380, v34;
	v35 =	vsel vm1, $0x4380, v35  }
0x14a: {  	v36 =	vsel vm1, $0x6380, v36;
	v37 =	vsel vm1, $0x1000, v37;
	v38 =	vsel vm1, $0x3000, v38  }
0x14b: {  	v39 =	vsel vm1, $0x5000, v39;
	v40 =	vsel vm1, $0x7000, v40;
	v41 =	vsel vm1, $0x1080, v41  }
0x14c: {  	v42 =	vsel vm1, $0x3080, v42;
	v43 =	vsel vm1, $0x5080, v43;
	v44 =	vsel vm1, $0x7080, v44  }
0x14d: {  	v45 =	vsel vm1, $0x1100, v45;
	v46 =	vsel vm1, $0x3100, v46;
	v47 =	vsel vm1, $0x5100, v47  }
0x14e: {  	v48 =	vsel vm1, $0x7100, v48;
	v49 =	vsel vm1, $0x1180, v49;
	v50 =	vsel vm1, $0x3180, v50  }
0x14f: {  	v51 =	vsel vm1, $0x5180, v51;
	v52 =	vsel vm2, $0x7200, v52;
	v57 =	vunpack.c.0.s8.s32 v57  }
0x150: {  	v0 =	vsel vm2, $0x7380, v0;
	v1 =	vsel vm2, $0x0, v1;
	v60 =	vsel vm2, $0x2000, v2  }
0x151: {  	v61 =	vsel vm2, $0x4000, v3;
	v4 =	vsel vm2, $0x6000, v4;
	v5 =	vsel vm2, $0x80, v5  }
0x152: {  	v6 =	vsel vm2, $0x2080, v6;
	v7 =	vsel vm2, $0x4080, v7;
	v8 =	vsel vm2, $0x6080, v8  }
0x153: {  	v9 =	vsel vm2, $0x100, v9;
	v10 =	vsel vm2, $0x2100, v10;
	v11 =	vsel vm2, $0x4100, v11  }
0x154: {  	v12 =	vsel vm2, $0x6100, v12;
	v13 =	vsel vm2, $0x180, v13;
	v14 =	vsel vm2, $0x2180, v14  }
0x155: {  	[tilespmem:$0x1FD40] =	vst v55;
	v15 =	vsel vm2, $0x4180, v15;
	v16 =	vsel vm2, $0x6180, v16;
	v17 =	vsel vm2, $0x200, v17  }
0x156: {  	[tilespmem:$0x1FDC0] =	vst v54;
	v18 =	vsel vm2, $0x2200, v18;
	v19 =	vsel vm2, $0x4200, v19;
	v0 =	vsel vm0, $0x6000, v0  }
0x157: {  	v20 =	vsel vm2, $0x6200, v20;
	v21 =	vsel vm2, $0x280, v21;
	v55 =	vsel vm0, $0x2080, v60;
	[tilespmem:$0x1F870] =	vst v0  }
0x158: {  	v22 =	vsel vm2, $0x2280, v22;
	v23 =	vsel vm2, $0x4280, v23;
	v60 =	vsel vm0, $0x4080, v61;
	[tilespmem:$0x1F890] =	vst v55  }
0x159: {  	v2 =	vsel vm2, $0x3180, v46;
	v46 =	vimm.s32 $0xA9876543;
	v61 =	vsel vm0, $0x6080, v4;
	[tilespmem:$0x1F8A0] =	vst v60  }
0x15a: {  	v24 =	vsel vm2, $0x6280, v24;
	v3 =	vunpack.c.l.s4.s8 v46;
	v46 =	vsel vm0, $0x2100, v6;
	[tilespmem:$0x1F8B0] =	vst v61  }
0x15b: {  	v25 =	vsel vm2, $0x300, v25;
	v26 =	vsel vm2, $0x2300, v26;
	v53 =	vsel vm0, $0x4100, v7;
	[tilespmem:$0x1F8D0] =	vst v46  }
0x15c: {  	v27 =	vsel vm2, $0x4300, v27;
	v28 =	vsel vm2, $0x6300, v28;
	v54 =	vsel vm0, $0x6100, v8;
	[tilespmem:$0x1F8E0] =	vst v53  }
0x15d: {  	v29 =	vsel vm2, $0x380, v29;
	v30 =	vsel vm2, $0x2380, v30;
	v56 =	vsel vm0, $0x2180, v10;
	[tilespmem:$0x1F8F0] =	vst v54  }
0x15e: {  	v31 =	vsel vm2, $0x4380, v31;
	v0 =	vunpack.c.l.s4.s8 v63;
	v63 =	vsel vm0, $0x100, v5;
	[tilespmem:$0x1F910] =	vst v56  }
0x15f: {  	v32 =	vsel vm2, $0x6380, v32;
	v33 =	vsel vm2, $0x1000, v33;
	v55 =	vsel vm0, $0x180, v9;
	[tilespmem:$0x1F8C0] =	vst v63  }
0x160: {  	v34 =	vsel vm2, $0x3000, v34;
	v35 =	vsel vm2, $0x5000, v35;
	v60 =	vsel vm0, $0x4180, v11;
	[tilespmem:$0x1F900] =	vst v55  }
0x161: {  	v36 =	vsel vm2, $0x7000, v36;
	v37 =	vsel vm2, $0x1080, v37;
	v61 =	vsel vm0, $0x6180, v12;
	[tilespmem:$0x1F920] =	vst v60  }
0x162: {  	v38 =	vsel vm2, $0x3080, v38;
	v39 =	vsel vm2, $0x5080, v39;
	v46 =	vsel vm0, $0x2200, v14;
	[tilespmem:$0x1F930] =	vst v61  }
0x163: {  	v40 =	vsel vm2, $0x7080, v40;
	v41 =	vsel vm2, $0x1100, v41;
	v53 =	vsel vm0, $0x4200, v15;
	[tilespmem:$0x1F970] =	vst v46  }
0x164: {  	v42 =	vsel vm2, $0x3100, v42;
	v43 =	vsel vm2, $0x5100, v43;
	v54 =	vsel vm0, $0x6200, v16;
	[tilespmem:$0x1F990] =	vst v53  }
0x165: {  	v44 =	vsel vm2, $0x7100, v44;
	v45 =	vsel vm2, $0x1180, v45;
	v56 =	vsel vm0, $0x2280, v18;
	[tilespmem:$0x1F9B0] =	vst v54  }
0x166: {  	v47 =	vsel vm2, $0x5180, v47;
	v48 =	vsel vm2, $0x7180, v48;
	v63 =	vsel vm0, $0x200, v13;
	[tilespmem:$0x1F9F0] =	vst v56  }
0x167: {  	v49 =	vsel vm2, $0x1200, v49;
	v50 =	vsel vm2, $0x3200, v50;
	v55 =	vsel vm0, $0x280, v17;
	[tilespmem:$0x1F950] =	vst v63  }
0x168: {  	v51 =	vsel vm2, $0x5200, v51;
	v1 =	vsel vm0, $0x80, v1;
	v60 =	vsel vm0, $0x4280, v19;
	[tilespmem:$0x1F9D0] =	vst v55  }
0x169: {  	v11 =	vsel vm0, $0x1200, v45;
	v45 =	vimm.s32 $0x26252423;
	v61 =	vsel vm0, $0x6280, v20;
	[tilespmem:$0x1FA10] =	vst v60  }
0x16a: {  	v46 =	vsel vm0, $0x2300, v22;
	v53 =	vsel vm0, $0x4300, v23;
	v54 =	vsel vm0, $0x6300, v24;
	[tilespmem:$0x1FA30] =	vst v61  }
0x16b: {  	v56 =	vsel vm0, $0x2380, v26;
	v26 =	vsel vm0, $0x1100, v37;
	v22 =	vmovc v58;
	v58 =	vimm.s32 $0x35343332;
	[tilespmem:$0x1FA70] =	vst v46  }
0x16c: {  	v20 =	vmovc v59;
	v23 =	vsel vm0, $0x7280, v52;
	v59 =	vimm.s32 $0x39383736;
	v37 =	vimm.s32 $0x2E2D2C2B;
	[tilespmem:$0x1FA80] =	vst v53  }
0x16d: {  	v63 =	vsel vm0, $0x300, v21;
	[tilespmem:$0x1FA90] =	vst v54;
	v55 =	vsel vm0, $0x380, v25;
	v60 =	vsel vm0, $0x4380, v27  }
0x16e: {  	[tilespmem:$0x1FAB0] =	vst v56;
	v61 =	vsel vm0, $0x6380, v28;
	v46 =	vsel vm0, $0x3000, v30;
	v53 =	vsel vm0, $0x5000, v31  }
0x16f: {  	v54 =	vsel vm0, $0x7000, v32;
	v56 =	vsel vm0, $0x3080, v34;
	v25 =	vsel vm0, $0x3100, v38;
	[tilespmem:$0x1FA50] =	vst v63  }
0x170: {  	v27 =	vsel vm0, $0x5100, v39;
	v28 =	vsel vm0, $0x7100, v40;
	v39 =	vsel vm0, $0x5200, v47;
	[tilespmem:$0x1FAA0] =	vst v55  }
0x171: {  	v40 =	vsel vm0, $0x7200, v48;
	v38 =	vsel vm0, $0x3280, v50;
	v10 =	vunpack.c.0.s8.s32 v58;
	[tilespmem:$0x1FAC0] =	vst v60  }
0x172: {  	v31 =	vmovc v57;
	v57 =	vunpack.c.0.s8.s32 v0;
	v47 =	vimm.s32 $0x2A292827;
	v50 =	vimm.s32 $0x3231303F;
	[tilespmem:$0x1FAD0] =	vst v61  }
0x173: {  	v63 =	vsel vm0, $0x1000, v29;
	[tilespmem:$0x1FB00] =	vst v53;
	v55 =	vsel vm0, $0x1080, v33;
	v60 =	vsel vm0, $0x5080, v35  }
0x174: {  	[tilespmem:$0x1FB20] =	vst v54;
	v53 =	vsel vm0, $0x7080, v36;
	v54 =	vsel vm0, $0x3180, v42;
	v42 =	vsel vm0, $0x5180, v43  }
0x175: {  	[tilespmem:$0x1FAF0] =	vst v46;
	v46 =	vsel vm0, $0x7180, v44;
	v29 =	vsel vm0, $0x5280, v51;
	v44 =	vunpack.c.0.s8.s32 v59  }
0x176: {  	v61 =	vimm.s32 $0x1E1D1C1B;
	v33 =	vimm.s32 $0x16151413;
	v36 =	vimm.s32 $0x1A191817  }
0x177: {  	[tilespmem:$0x1FB40] =	vst v56;
	v43 =	vimm.s32 $0x2221202F;
	v56 =	vunpack.c.0.s8.s32 v47;
	v51 =	vimm.s32 $0x3210FEDC  }
0x178: {  	v59 =	vunpack.c.0.s8.s32 v50;
	v47 =	vimm.s32 $0x13121110;
	v50 =	vimm.s32 $0x17161514  }
0x179: {  	[tilespmem:$0x1FB30] =	vst v55;
	v55 =	vsel vm0, $0x1180, v41;
	v41 =	vsel vm0, $0x1280, v49;
	v52 =	vunpack.c.l.s4.s8 v51  }
0x17a: {  	[tilespmem:$0x1FAE0] =	vst v63;
	v63 =	vimm.s32 $0x1211101F;
	v35 =	vunpack.c.0.s8.s32 v61;
	v32 =	vunpack.c.0.s8.s32 v33  }
0x17b: {  	v48 =	vunpack.c.0.s8.s32 v36;
	v36 =	vunpack.c.0.s8.s32 v37;
	v0 =	vunpack.c.0.s8.s32 v52  }
0x17c: {  	v16 =	vunpack.c.0.s8.s32 v43;
	v33 =	vunpack.c.0.s8.s32 v45;
	v45 =	vimm.s32 $0x1F1E1D1C  }
0x17d: {  	v49 =	vimm.s32 $0x3E3D3C3B;
	v61 =	vimm.s32 $0xBA987654;
	[tilespmem:$0x1FB50] =	vst v0;
	v0 =	vunpack.c.0.s8.s32 v45  }
0x17e: {  	[tilespmem:$0x1F880] =	vst v1;
	v58 =	vunpack.c.0.s8.s32 v49;
	v1 =	vunpack.c.l.s4.s8 v61;
	v49 =	vunpack.c.0.s8.s32 v47  }
0x17f: {  	v37 =	vimm.s32 $0x3A393837;
	v51 =	vimm.s32 $0x1B1A1918;
	[tilespmem:$0x1FB70] =	vst v0;
	v0 =	vunpack.c.0.s8.s32 v50  }
0x180: {  	v34 =	vunpack.c.0.s8.s32 v63;
	v63 =	vimm.s32 $0x36353433;
	v43 =	vunpack.c.0.s8.s32 v1;
	[tilespmem:$0x1FB80] =	vst v49  }
0x181: {  	v61 =	vunpack.c.0.s8.s32 v63;
	v52 =	vimm.s32 $0x2F2E2D2C;
	[tilespmem:$0x1FB90] =	vst v0;
	v0 =	vunpack.c.0.s8.s32 v51  }
0x182: {  	v63 =	vunpack.c.0.s8.s32 v37;
	v37 =	vunpack.c.0.s8.s32 v52;
	[tilespmem:$0x1FB60] =	vst v43;
	v43 =	vimm.s32 $0x23222120  }
0x183: {  	v47 =	vimm.s32 $0x2B2A2928;
	[tilespmem:$0x1FBA0] =	vst v0;
	v0 =	vunpack.c.0.s8.s32 v43  }
0x184: {  	v49 =	vunpack.c.0.s8.s32 v47;
	v45 =	vimm.s32 $0x27262524;
	[tilespmem:$0x1FBB0] =	vst v37  }
0x185: {  	v52 =	vimm.s32 $0x37363534;
	[tilespmem:$0x1FBC0] =	vst v0;
	v0 =	vunpack.c.0.s8.s32 v45  }
0x186: {  	v24 =	vlaneseq.u32;
	v47 =	vimm.s32 $0xCBA98765;
	[tilespmem:$0x1FBE0] =	vst v49;
	v50 =	vimm.s32 $0x3F3E3D3C  }
0x187: {  	v1 =	vunpack.c.l.s4.s8 v47;
	v47 =	vor.u32 $0x10, v24;
	[tilespmem:$0x1FBD0] =	vst v0;
	v0 =	vunpack.c.0.s8.s32 v50  }
0x188: {  	v37 =	vunpack.c.0.s8.s32 v52;
	[tilespmem:$0x1FC90] =	vst v47;
	v51 =	vimm.s32 $0x33323130  }
0x189: {  	v6 =	vmovc v62;
	v62 =	vunpack.c.0.s8.s32 v3;
	v49 =	vimm.s32 $0x543210FE;
	[tilespmem:$0x1FBF0] =	vst v0;
	v0 =	vunpack.c.0.s8.s32 v51  }
0x18a: {  	v7 =	vld [tilespmem:$0x1FA00];
	v30 =	vsel vm0, $0x3200, v2;
	v2 =	vunpack.c.l.s4.s8 v49;
	[tilespmem:$0x1FC10] =	vst v37;
	v43 =	vimm.s32 $0x3B3A3938  }
0x18b: {  	v12 =	vld [tilespmem:$0x1F940];
	v49 =	vor.u32 $0x20, v24;
	v50 =	vimm.s32 $0xDCBA9876;
	[tilespmem:$0x1FC00] =	vst v0;
	v0 =	vunpack.c.0.s8.s32 v43  }
0x18c: {  	v14 =	vld [tilespmem:$0x1F980];
	[tilespmem:$0x1FCA0] =	vst v49;
	v37 =	vunpack.c.0.s8.s32 v2;
	v45 =	vimm.s32 $0x43210FED;
	v3 =	vunpack.c.l.s4.s8 v50  }
0x18d: {  	v4 =	vimm.s32 $0x6543210F;
	v15 =	vld [tilespmem:$0x1F9A0];
	v51 =	vunpack.c.0.s8.s32 v1;
	[tilespmem:$0x1FC20] =	vst v0;
	v0 =	vunpack.c.l.s4.s8 v45  }
0x18e: {  	v4 =	vunpack.c.l.s4.s8 v4;
	v5 =	vimm.s32 $0xEDCBA987;
	v13 =	vld [tilespmem:$0x1F960];
	[tilespmem:$0x1FC50] =	vst v37;
	v43 =	vunpack.c.0.s8.s32 v3  }
0x18f: {  	v9 =	vld [tilespmem:$0x1F9C0];
	v52 =	vunpack.c.l.s4.s8 v5;
	[tilespmem:$0x1FC40] =	vst v51;
	v0 =	vunpack.c.0.s8.s32 v0  }
0x190: {  	s4 =	rddreg [dreg:$0x0];
	v17 =	vld [tilespmem:$0x1F9E0];
	[tilespmem:$0x1FC60] =	vst v43;
	v45 =	vunpack.c.0.s8.s32 v4  }
0x191: {  	s3 =	rddreg [dreg:$0x1];
	v19 =	vld [tilespmem:$0x1FA20];
	[tilespmem:$0x1FC30] =	vst v0;
	v0 =	vunpack.c.0.s8.s32 v52  }
0x192: {  	s5 =	rddreg [dreg:$0x2];
	s2 =	simm.s32 $0x0;
	v8 =	vld [tilespmem:$0x1FA40];
	vm0 =	vcmask $0x1F10;
	[tilespmem:$0x1FC70] =	vst v45  }
0x193: {  	[smem:$0x7FF] =	sst s2;
	v18 =	vld [tilespmem:$0x1FB10];
	v50 =	vsel vm0, v13, v12;
	v51 =	vsel vm0, v15, v14;
	[tilespmem:$0x1FC80] =	vst v0  }
0x194: {  	s0 =	rddreg [dreg:$0x3];
	v21 =	vld [tilespmem:$0x1FA60];
	v1 =	vcombine.low v51, v50;
	_ =	strace $0x80000047;
	[tilespmem:$0x1FCB0] =	vst v50  }
0x195: {  	[tilespmem:$0x1FCC0] =	vst v51  }
0x196: {  	v4 =	vsel vm0, v19, v7;
	v52 =	vsel vm0, v17, v9;
	[tilespmem:$0x1FCD0] =	vst v1  }
0x197: {  	v37 =	vcombine.low v4, v52;
	[tilespmem:$0x1FCE0] =	vst v52  }
0x198: {  	[tilespmem:$0x1FCF0] =	vst v4  }
0x199: {  	[tilespmem:$0x1FD00] =	vst v37  }
0x19a: {  	v43 =	vsel vm0, v21, v8;
	[tilespmem:$0x1FD50] =	vst v6  }
0x19b: {  	[tilespmem:$0x1FD60] =	vst v43  }
0x19c: {  	[tilespmem:$0x1FDF0] =	vst v44  }
0x19d: {  	v5 =	vor.u32 $0x30, v24;
	[tilespmem:$0x1FE00] =	vst v10  }
0x19e: {  	[tilespmem:$0x1FE10] =	vst v5  }
0x19f: {  	[tilespmem:$0x1FE80] =	vst v25  }
0x1a0: {  	[tilespmem:$0x1FE90] =	vst v26  }
0x1a1: {  	[tilespmem:$0x1FEA0] =	vst v27  }
0x1a2: {  	[tilespmem:$0x1FEB0] =	vst v28  }
0x1a3: {  	[tilespmem:$0x1FEC0] =	vst v55  }
0x1a4: {  	[tilespmem:$0x1FED0] =	vst v42  }
0x1a5: {  	[tilespmem:$0x1FEE0] =	vst v54  }
0x1a6: {  	[tilespmem:$0x1FEF0] =	vst v11  }
0x1a7: {  	[tilespmem:$0x1FF00] =	vst v39  }
0x1a8: {  	[tilespmem:$0x1FF10] =	vst v41  }
0x1a9: {  	[tilespmem:$0x1FF20] =	vst v46  }
0x1aa: {  	[tilespmem:$0x1FF30] =	vst v23  }
0x1ab: {  	[tilespmem:$0x1FF40] =	vst v40  }
0x1ac: {  	[tilespmem:$0x1FF50] =	vst v60  }
0x1ad: {  	[tilespmem:$0x1FF60] =	vst v29  }
0x1ae: {  	[tilespmem:$0x1FF70] =	vst v30  }
0x1af: {  	[tilespmem:$0x1FF80] =	vst v38  }
0x1b0: {  	[tilespmem:$0x1FF90] =	vst v20;
	v47 =	vld [tilespmem:$0x1FD10]  }
0x1b1: {  	[tilespmem:$0x1FFA0] =	vst v31;
	v50 =	vld [tilespmem:$0x1FD20]  }
0x1b2: {  	[tilespmem:$0x1FFB0] =	vst v22;
	v51 =	vld [tilespmem:$0x1FD30]  }
0x1b3: {  	[tilespmem:$0x1FFC0] =	vst v34;
	v52 =	vld [tilespmem:$0x1FD40]  }
0x1b4: {  	[tilespmem:$0x1FFD0] =	vst v53  }
0x1b5: {  	[tilespmem:$0x1FFE0] =	vst v32  }
0x1b6: {  	[tilespmem:$0x1FFF0] =	vst v35;
	v49 =	vsel vm0, v18, v47  }
0x1b7: {  	v37 =	vmov v47;
	v3 =	vsel vm0, v50, v51;
	v47 =	vld [tilespmem:$0x1FDC0];
	[tilespmem:$0x1FD70] =	vst v49  }
0x1b8: {  	v4 =	vsel vm0, v6, v52;
	v50 =	vld [tilespmem:$0x1FDE0];
	[tilespmem:$0x1FD90] =	vst v3  }
0x1b9: {  	v51 =	vsel vm0, v31, v22;
	v1 =	vcombine.low v49, v43;
	[tilespmem:$0x1FDA0] =	vst v4;
	v49 =	vld [tilespmem:$0x1FDD0]  }
0x1ba: {  	s6 =	srdreg.scid;
	v43 =	vcombine.low v4, v3;
	v4 =	vsel vm0, v44, v10;
	[tilespmem:$0x1FE50] =	vst v51  }
0x1bb: {  	s1 =	stileid.u32;
	s10 =	simm.s32 $0x1;
	s11 =	simm.s32 $0x10400;
	[tilespmem:$0x1FE60] =	vst v4  }
0x1bc: {  	s12 =	simm.s32 $0x1000;
	s13 =	simm.s32 $0x20000;
	s6 =	sand.u32 $0x1, s6;
	v52 =	vcombine.low v4, v51;
	[tilespmem:$0x1FD80] =	vst v1  }
0x1bd: {  	s14 =	simm.s32 $0x0;
	s7 =	sshll.u32 s1, $0xA;
	s8 =	sshll.u32 s6, $0x9;
	[tilespmem:$0x1FDB0] =	vst v43  }
0x1be: {  	s3 =	sadd.s32 $0x186E00, s3;
	s6 =	ssub.s32 $0x2, s6;
	s7 =	sor.u32 s8, s7;
	[tilespmem:$0x1FE70] =	vst v52;
	v2 =	vsel vm0, v50, v20;
	v1 =	vsel vm0, v47, v49  }
0x1bf: {  	s31 =	sshrl.u32 s6, $0x1;
	s8 =	simm.s32 $0x200;
	s9 =	sshrl.u32 s7, $0x3;
	[tilespmem:$0x1FE20] =	vst v1;
	v1 =	vcombine.low v2, v1  }
0x1c0: {  	s6 =	ssub.s32 s6, s31;
	s5 =	sadd.s32 s5, s7;
	s7 =	simm.s32 $0x2;
	[tilespmem:$0x1FE30] =	vst v2  }
0x1c1: {  	s4 =	sadd.s32 s4, s9;
	s6 =	smax.u32 s6, $0x1;
	s9 =	simm.s32 $0x400;
	v45 =	vmov v7;
	v7 =	vmov v8;
	[tilespmem:$0x1FE40] =	vst v1  }
.LBB2_1:
0x1c2: {  	[tilespmem:s2], [sflag:$0x2] =	stream.linear.gather [hbm4b:s4+s2], $0x200, $0x38;
	[tilespmem:$0x18400] =	vst v63  }
0x1c3: {  	_ =	swait.ge [sflag:s7], $0x200  }
0x1c4: {  	[sflag:s7] =	ssyncset.done $0x0  }
0x1c5: {  	[sflag:s7] =	ssyncadd.s32 $0xFFFFFE00  }
0x1c6: {  	v1 =	vld [tilespmem:$0x0]  }
0x1c7: {  	v2 =	vld [tilespmem:$0x10]  }
0x1c8: {  	v3 =	vld [tilespmem:$0x20]  }
0x1c9: {  	v4 =	vld [tilespmem:$0x30]  }
0x1ca: {  	v5 =	vld [tilespmem:$0x40]  }
0x1cb: {  	v6 =	vld [tilespmem:$0x50]  }
0x1cc: {  	v50 =	vld [tilespmem:$0x60]  }
0x1cd: {  	v52 =	vld [tilespmem:$0x70]  }
0x1ce: {  	v38 =	vld [tilespmem:$0xB0];
	v1 =	vshra.s32 v1, $0x1  }
0x1cf: {  	v40 =	vld [tilespmem:$0xC0];
	v49 =	vshra.s32 v2, $0x1;
	[tilespmem:$0x200] =	vst v1  }
0x1d0: {  	v46 =	vld [tilespmem:$0x100];
	v51 =	vshra.s32 v3, $0x1;
	[tilespmem:$0x210] =	vst v49  }
0x1d1: {  	v53 =	vshra.s32 v4, $0x1;
	v4 =	vld [tilespmem:$0x80];
	[tilespmem:$0x220] =	vst v51  }
0x1d2: {  	v54 =	vshra.s32 v5, $0x1;
	v5 =	vld [tilespmem:$0x90];
	[tilespmem:$0x230] =	vst v53  }
0x1d3: {  	v55 =	vshra.s32 v6, $0x1;
	v6 =	vld [tilespmem:$0xA0];
	[tilespmem:$0x240] =	vst v54  }
0x1d4: {  	v60 =	vshra.s32 v50, $0x1;
	[tilespmem:$0x250] =	vst v55;
	v49 =	vld [tilespmem:$0x110]  }
0x1d5: {  	v39 =	vshra.s32 v52, $0x1;
	[tilespmem:$0x260] =	vst v60;
	v54 =	vld [tilespmem:$0x150]  }
0x1d6: {  	v44 =	vshra.s32 v38, $0x1;
	[tilespmem:$0x270] =	vst v39;
	v60 =	vld [tilespmem:$0x160]  }
0x1d7: {  	v47 =	vshra.s32 v40, $0x1;
	[tilespmem:$0x2B0] =	vst v44;
	v41 =	vshra.s32 v4, $0x1;
	v4 =	vld [tilespmem:$0xD0]  }
0x1d8: {  	[tilespmem:$0x2C0] =	vst v47;
	v53 =	vshra.s32 v46, $0x1;
	v42 =	vshra.s32 v5, $0x1;
	v5 =	vld [tilespmem:$0xE0]  }
0x1d9: {  	[tilespmem:$0x300] =	vst v53;
	v43 =	vshra.s32 v6, $0x1;
	v6 =	vld [tilespmem:$0xF0]  }
0x1da: {  	v44 =	vld [tilespmem:$0x1B0];
	[tilespmem:$0x280] =	vst v41  }
0x1db: {  	[tilespmem:$0x290] =	vst v42;
	v42 =	vld [tilespmem:$0x1A0]  }
0x1dc: {  	[tilespmem:$0x2A0] =	vst v43;
	v55 =	vshra.s32 v49, $0x1;
	v50 =	vshra.s32 v4, $0x1;
	v4 =	vld [tilespmem:$0x120]  }
0x1dd: {  	v41 =	vshra.s32 v54, $0x1;
	[tilespmem:$0x310] =	vst v55;
	v51 =	vshra.s32 v5, $0x1;
	v5 =	vld [tilespmem:$0x130]  }
0x1de: {  	v43 =	vshra.s32 v60, $0x1;
	[tilespmem:$0x350] =	vst v41;
	v52 =	vshra.s32 v6, $0x1;
	v6 =	vld [tilespmem:$0x140]  }
0x1df: {  	[tilespmem:$0x360] =	vst v43  }
0x1e0: {  	[tilespmem:$0x2E0] =	vst v51;
	v51 =	vld [tilespmem:$0x1F0]  }
0x1e1: {  	[tilespmem:$0x2D0] =	vst v50;
	v38 =	vshra.s32 v4, $0x1;
	v4 =	vld [tilespmem:$0x170]  }
0x1e2: {  	[tilespmem:$0x2F0] =	vst v52;
	v50 =	vshra.s32 v42, $0x1;
	v39 =	vshra.s32 v5, $0x1;
	v5 =	vld [tilespmem:$0x180]  }
0x1e3: {  	v52 =	vshra.s32 v44, $0x1;
	[tilespmem:$0x3A0] =	vst v50;
	v40 =	vshra.s32 v6, $0x1;
	v6 =	vld [tilespmem:$0x190]  }
0x1e4: {  	[tilespmem:$0x3B0] =	vst v52  }
0x1e5: {  	[tilespmem:$0x320] =	vst v38  }
0x1e6: {  	[tilespmem:$0x330] =	vst v39;
	v46 =	vshra.s32 v4, $0x1;
	v4 =	vld [tilespmem:$0x1C0]  }
0x1e7: {  	[tilespmem:$0x340] =	vst v40;
	v60 =	vshra.s32 v51, $0x1;
	v47 =	vshra.s32 v5, $0x1;
	v5 =	vld [tilespmem:$0x1D0]  }
0x1e8: {  	[tilespmem:$0x3F0] =	vst v60;
	v49 =	vshra.s32 v6, $0x1;
	v6 =	vld [tilespmem:$0x1E0]  }
0x1e9: {  	[tilespmem:$0x370] =	vst v46  }
0x1ea: {  	[tilespmem:$0x380] =	vst v47  }
0x1eb: {  	[tilespmem:$0x390] =	vst v49;
	v53 =	vshra.s32 v4, $0x1  }
0x1ec: {  	v54 =	vshra.s32 v5, $0x1;
	[tilespmem:$0x3C0] =	vst v53  }
0x1ed: {  	v55 =	vshra.s32 v6, $0x1;
	[tilespmem:$0x3D0] =	vst v54  }
0x1ee: {  	[tilespmem:$0x3E0] =	vst v55  }
0x1ef: {  	[tilespmem:s9], [sflag:$0x1] =	stream.indirect.gather [hbm4b:s3+s8], $0x80, s8, s8, $0xb8;
	[tilespmem:$0x18400] =	vst v63  }
0x1f0: {  	_ =	swait.ge [sflag:s10], $0x10000  }
0x1f1: {  	[sflag:s10] =	ssyncset.done $0x0  }
0x1f2: {  	s15 =	simm.s32 $0x0;
	s16 =	simm.s32 $0x0;
	[sflag:s10] =	ssyncadd.s32 $0xFFFF0000  }
.LBB2_2:
0x1f3: {  	v1 =	vld [tilespmem:s15+$0x0];
	_ =	sdelay $0x4  }
0x1f4: {  	v2 =	vor.u32 s16, v24;
	v1 =	vshll.u32 v1, $0x6  }
0x1f5: {  	v3 =	vshll.u32 v2, $0x7;
	v1 =	vand.u32 $0x40, v1  }
0x1f6: {  	v23 =	vor.u32 v3, v1  }
0x1f7: {  	v55 =	vld [tilespmem:$0x1F750];
	v1 =	vor.u32 v24, v23  }
0x1f8: {  	v54 =	vmov s16;
	v0 =	vld [tilespmem:$0x1FC90]  }
0x1f9: {  	v3 =	vshll.u32 v54, $0x3  }
0x1fa: {  	v2 =	vand.u32 $0x7F, v2;
	v3 =	vand.u32 $0xC00, v3  }
0x1fb: {  	v24 =	vor.u32 v3, v2  }
0x1fc: {  	v2 =	vor.u32 v55, v24;
	v1 =	vld.idx.msk [tilespmem:v1+s9+$0x0], $0xffff  }
0x1fd: {  	v38 =	vld [tilespmem:$0x1F760];
	v60 =	vor.u32 v0, v23  }
0x1fe: {  	v39 =	vld [tilespmem:$0x1FCA0];
	_ =	sdelay $0x2  }
0x1ff: {  	[tilespmem:v2+s11+$0x0] =	vst.idx.msk $0xffff, v1  }
0x200: {  	v2 =	vor.u32 v38, v24;
	v1 =	vld.idx.msk [tilespmem:v60+s9+$0x0], $0xffff  }
0x201: {  	v41 =	vld [tilespmem:$0x1F770];
	v40 =	vor.u32 v39, v23  }
0x202: {  	v42 =	vld [tilespmem:$0x1FE10];
	_ =	sdelay $0x2  }
0x203: {  	[tilespmem:v2+s11+$0x0] =	vst.idx.msk $0xffff, v1  }
0x204: {  	v2 =	vor.u32 v41, v24;
	v1 =	vld.idx.msk [tilespmem:v40+s9+$0x0], $0xffff  }
0x205: {  	v46 =	vld [tilespmem:$0x1F7A0];
	v43 =	vor.u32 v42, v23  }
0x206: {  	v49 =	vld [tilespmem:$0x1F7B0];
	_ =	sdelay $0x2  }
0x207: {  	[tilespmem:v2+s11+$0x0] =	vst.idx.msk $0xffff, v1  }
0x208: {  	v2 =	vor.u32 v46, v24;
	v1 =	vld.idx.msk [tilespmem:v43+s9+$0x0], $0xffff  }
0x209: {  	v50 =	vld [tilespmem:$0x1F7C0];
	v3 =	vor.u32 v49, v23  }
0x20a: {  	v51 =	vld [tilespmem:$0x1FCD0];
	_ =	sdelay $0x2  }
0x20b: {  	[tilespmem:v2+s11+$0x0] =	vst.idx.msk $0xffff, v1  }
0x20c: {  	v2 =	vor.u32 v50, v24;
	v1 =	vld.idx.msk [tilespmem:v3+s9+$0x0], $0xffff  }
0x20d: {  	v53 =	vld [tilespmem:$0x1F7D0];
	v52 =	vor.u32 v51, v23  }
0x20e: {  	v54 =	vld [tilespmem:$0x1FD00];
	_ =	sdelay $0x2  }
0x20f: {  	[tilespmem:v2+s11+$0x0] =	vst.idx.msk $0xffff, v1  }
0x210: {  	v2 =	vor.u32 v53, v24;
	v1 =	vld.idx.msk [tilespmem:v52+s9+$0x0], $0xffff  }
0x211: {  	v55 =	vor.u32 v54, v23;
	v60 =	vld [tilespmem:$0x1F7E0]  }
0x212: {  	v38 =	vld [tilespmem:$0x1FD80];
	_ =	sdelay $0x2  }
0x213: {  	[tilespmem:v2+s11+$0x0] =	vst.idx.msk $0xffff, v1  }
0x214: {  	v2 =	vor.u32 v60, v24;
	v1 =	vld.idx.msk [tilespmem:v55+s9+$0x0], $0xffff  }
0x215: {  	v39 =	vor.u32 v38, v23;
	v40 =	vld [tilespmem:$0x1F820]  }
0x216: {  	v41 =	vld [tilespmem:$0x1F830];
	_ =	sdelay $0x2  }
0x217: {  	[tilespmem:v2+s11+$0x0] =	vst.idx.msk $0xffff, v1  }
0x218: {  	v2 =	vor.u32 v40, v24;
	v1 =	vld.idx.msk [tilespmem:v39+s9+$0x0], $0xffff  }
0x219: {  	v42 =	vld [tilespmem:$0x1F840];
	v3 =	vor.u32 v41, v23  }
0x21a: {  	v43 =	vld [tilespmem:$0x1FDB0];
	_ =	sdelay $0x2  }
0x21b: {  	[tilespmem:v2+s11+$0x0] =	vst.idx.msk $0xffff, v1  }
0x21c: {  	v2 =	vor.u32 v42, v24;
	v1 =	vld.idx.msk [tilespmem:v3+s9+$0x0], $0xffff  }
0x21d: {  	v49 =	vld [tilespmem:$0x1F850];
	v46 =	vor.u32 v43, v23  }
0x21e: {  	v50 =	vld [tilespmem:$0x1FE40];
	_ =	sdelay $0x2  }
0x21f: {  	[tilespmem:v2+s11+$0x0] =	vst.idx.msk $0xffff, v1  }
0x220: {  	v2 =	vor.u32 v49, v24;
	v1 =	vld.idx.msk [tilespmem:v46+s9+$0x0], $0xffff  }
0x221: {  	v51 =	vor.u32 v50, v23;
	v52 =	vld [tilespmem:$0x1F860]  }
0x222: {  	v53 =	vld [tilespmem:$0x1FE70];
	_ =	sdelay $0x2  }
0x223: {  	[tilespmem:v2+s11+$0x0] =	vst.idx.msk $0xffff, v1  }
0x224: {  	v2 =	vor.u32 v52, v24;
	v1 =	vld.idx.msk [tilespmem:v51+s9+$0x0], $0xffff  }
0x225: {  	v54 =	vor.u32 v53, v23;
	v55 =	vld [tilespmem:$0x1F870];
	_ =	sdelay $0x2  }
0x226: {  	v4 =	vcombine.low v62, v57  }
0x227: {  	[tilespmem:v2+s11+$0x0] =	vst.idx.msk $0xffff, v1  }
0x228: {  	v0 =	vmov v57;
	v57 =	vand.u32 $0xF, v4;
	v2 =	vor.u32 v55, v24;
	v1 =	vld.idx.msk [tilespmem:v54+s9+$0x0], $0xffff  }
0x229: {  	v26 =	vmov v62;
	v62 =	vld [tilespmem:$0x1F880];
	v3 =	vor.u32 v57, v23;
	_ =	sdelay $0x2  }
0x22a: {  	v5 =	vsel vm0, v34, v35;
	v4 =	vsel vm0, v48, v32  }
0x22b: {  	v60 =	vcombine.low v4, v5;
	[tilespmem:v2+s11+$0x0] =	vst.idx.msk $0xffff, v1  }
0x22c: {  	v2 =	vld.idx.msk [tilespmem:v3+s9+$0x0], $0xffff;
	v3 =	vor.u32 v62, v24  }
0x22d: {  	v39 =	vld [tilespmem:$0x1F890];
	v1 =	vor.u32 v60, v23;
	_ =	sdelay $0x2  }
0x22e: {  	v27 =	vsel vm0, v56, v33;
	[tilespmem:$0x1F6F0] =	vst v4;
	v4 =	vsel vm0, v16, v36  }
0x22f: {  	v38 =	vcombine.low v27, v4;
	[tilespmem:v3+s11+$0x0] =	vst.idx.msk $0xffff, v2  }
0x230: {  	v3 =	vor.u32 v39, v24;
	v1 =	vld.idx.msk [tilespmem:v1+s9+$0x0], $0xffff  }
0x231: {  	v41 =	vld [tilespmem:$0x1F8A0];
	v2 =	vor.u32 v38, v23;
	_ =	sdelay $0x1  }
0x232: {  	[tilespmem:$0x1F700] =	vst v5  }
0x233: {  	v28 =	vld [tilespmem:$0x1FB60];
	v5 =	vsel vm0, v63, v61;
	[tilespmem:$0x1F710] =	vst v4;
	v4 =	vsel vm0, v59, v58  }
0x234: {  	v40 =	vcombine.low v5, v4;
	v38 =	vld [tilespmem:$0x1FB50];
	[tilespmem:v3+s11+$0x0] =	vst.idx.msk $0xffff, v1  }
0x235: {  	v3 =	vor.u32 v41, v24;
	v2 =	vld.idx.msk [tilespmem:v2+s9+$0x0], $0xffff  }
0x236: {  	v42 =	vld [tilespmem:$0x1F8B0];
	v1 =	vor.u32 v40, v23  }
0x237: {  	v50 =	vld [tilespmem:$0x1FB90]  }
0x238: {  	v57 =	vld [tilespmem:$0x1FB80]  }
0x239: {  	[tilespmem:$0x1F720] =	vst v4;
	v60 =	vld [tilespmem:$0x1FB70];
	v4 =	vcombine.low v28, v38  }
0x23a: {  	v62 =	vld [tilespmem:$0x1FBA0];
	[tilespmem:v3+s11+$0x0] =	vst.idx.msk $0xffff, v2  }
0x23b: {  	[tilespmem:$0x1F730] =	vst v5;
	v5 =	vor.u32 v42, v24;
	v43 =	vand.u32 $0xF, v4;
	v3 =	vld.idx.msk [tilespmem:v1+s9+$0x0], $0xffff  }
0x23c: {  	v40 =	vld [tilespmem:$0x1F8C0];
	v4 =	vor.u32 v43, v23  }
0x23d: {  	v25 =	vld [tilespmem:$0x1FBE0]  }
0x23e: {  	v53 =	vld [tilespmem:$0x1FBB0]  }
0x23f: {  	v51 =	vld [tilespmem:$0x1FBD0]  }
0x240: {  	[tilespmem:v5+s11+$0x0] =	vst.idx.msk $0xffff, v3;
	v3 =	vld [tilespmem:$0x1FBC0]  }
0x241: {  	v46 =	vsel vm0, v57, v60;
	v55 =	vsel vm0, v62, v50;
	v6 =	vor.u32 v40, v24;
	v5 =	vld.idx.msk [tilespmem:v4+s9+$0x0], $0xffff  }
0x242: {  	v39 =	vcombine.low v55, v46;
	_ =	sdelay $0x1  }
0x243: {  	v47 =	vmov v7;
	v7 =	vor.u32 v39, v23;
	v41 =	vld [tilespmem:$0x1F8D0]  }
0x244: {  	v52 =	vld [tilespmem:$0x1FBF0];
	v49 =	vsel vm0, v25, v51;
	v54 =	vsel vm0, v3, v53  }
0x245: {  	v4 =	vld [tilespmem:$0x1FC20];
	[tilespmem:v6+s11+$0x0] =	vst.idx.msk $0xffff, v5;
	v5 =	vcombine.low v49, v54  }
0x246: {  	v6 =	vld [tilespmem:$0x1FC10]  }
0x247: {  	v44 =	vmov v9;
	v9 =	vor.u32 v5, v23;
	v5 =	vld [tilespmem:$0x1FC00]  }
0x248: {  	v8 =	vor.u32 v41, v24;
	v7 =	vld.idx.msk [tilespmem:v7+s9+$0x0], $0xffff  }
0x249: {  	v42 =	vld [tilespmem:$0x1F8E0];
	_ =	sdelay $0x2  }
0x24a: {  	v29 =	vld [tilespmem:$0x1FC30];
	[tilespmem:$0x1F740] =	vst v46;
	v43 =	vsel vm0, v4, v6;
	v46 =	vsel vm0, v5, v52  }
0x24b: {  	v30 =	vld [tilespmem:$0x1FC40];
	[tilespmem:v8+s11+$0x0] =	vst.idx.msk $0xffff, v7;
	v7 =	vcombine.low v43, v46  }
0x24c: {  	v8 =	vld.idx.msk [tilespmem:v9+s9+$0x0], $0xffff;
	v9 =	vor.u32 v42, v24  }
0x24d: {  	v39 =	vld [tilespmem:$0x1F8F0];
	v7 =	vor.u32 v7, v23;
	_ =	sdelay $0x2  }
0x24e: {  	v10 =	vcombine.low v30, v29  }
0x24f: {  	[tilespmem:v9+s11+$0x0] =	vst.idx.msk $0xffff, v8  }
0x250: {  	v11 =	vor.u32 v39, v24;
	v9 =	vld.idx.msk [tilespmem:v7+s9+$0x0], $0xffff;
	v7 =	vand.u32 $0xF, v10  }
0x251: {  	v40 =	vld [tilespmem:$0x1F900];
	v10 =	vor.u32 v7, v23;
	_ =	sdelay $0x2  }
0x252: {  	v41 =	vsel vm0, v12, v15;
	v42 =	vsel vm0, v14, v13  }
0x253: {  	[tilespmem:v11+s11+$0x0] =	vst.idx.msk $0xffff, v9;
	v9 =	vcombine.low v41, v42  }
0x254: {  	v12 =	vor.u32 v40, v24;
	v11 =	vld.idx.msk [tilespmem:v10+s9+$0x0], $0xffff  }
0x255: {  	v40 =	vsel vm0, v45, v17;
	v45 =	vld [tilespmem:$0x1F910];
	v13 =	vor.u32 v9, v23;
	_ =	sdelay $0x2  }
0x256: {  	v39 =	vsel vm0, v44, v19  }
0x257: {  	[tilespmem:v12+s11+$0x0] =	vst.idx.msk $0xffff, v11;
	v11 =	vcombine.low v39, v40  }
0x258: {  	v14 =	vor.u32 v45, v24;
	v13 =	vld.idx.msk [tilespmem:v13+s9+$0x0], $0xffff  }
0x259: {  	v12 =	vsel vm0, v47, v18;
	v47 =	vld [tilespmem:$0x1F920];
	v15 =	vor.u32 v11, v23;
	_ =	sdelay $0x1  }
0x25a: {  	v44 =	vmov v33;
	v33 =	vld [tilespmem:$0x1F930]  }
0x25b: {  	v10 =	vld [tilespmem:$0x1FC50];
	v11 =	vsel vm0, v37, v21  }
0x25c: {  	v9 =	vld [tilespmem:$0x1FC60];
	[tilespmem:v14+s11+$0x0] =	vst.idx.msk $0xffff, v13;
	v13 =	vcombine.low v12, v11  }
0x25d: {  	v14 =	vld.idx.msk [tilespmem:v15+s9+$0x0], $0xffff;
	v15 =	vor.u32 v47, v24  }
0x25e: {  	v45 =	vld [tilespmem:$0x1FD20];
	v13 =	vor.u32 v13, v23  }
0x25f: {  	v37 =	vld [tilespmem:$0x1FD40];
	_ =	sdelay $0x1  }
0x260: {  	v47 =	vmov v16;
	v16 =	vcombine.low v9, v10  }
0x261: {  	v17 =	vor.u32 v33, v24;
	v33 =	vld [tilespmem:$0x1FD50];
	[tilespmem:v15+s11+$0x0] =	vst.idx.msk $0xffff, v14  }
0x262: {  	v15 =	vld.idx.msk [tilespmem:v13+s9+$0x0], $0xffff;
	v13 =	vand.u32 $0xF, v16  }
0x263: {  	v16 =	vor.u32 v13, v23;
	v13 =	vsel vm0, v37, v45;
	v37 =	vld [tilespmem:$0x1FD30];
	_ =	sdelay $0x2  }
0x264: {  	v45 =	vld [tilespmem:$0x1F950];
	_ =	sdelay $0x1  }
0x265: {  	v14 =	vsel vm0, v37, v33;
	v33 =	vld [tilespmem:$0x1FDC0];
	_ =	sdelay $0x1  }
0x266: {  	v37 =	vld [tilespmem:$0x1FDE0]  }
0x267: {  	[tilespmem:v17+s11+$0x0] =	vst.idx.msk $0xffff, v15;
	v18 =	vor.u32 v45, v24;
	v45 =	vld [tilespmem:$0x1FDD0];
	v15 =	vcombine.low v14, v13  }
0x268: {  	v17 =	vld.idx.msk [tilespmem:v16+s9+$0x0], $0xffff  }
0x269: {  	v19 =	vor.u32 v15, v23;
	v15 =	vsel vm0, v20, v33;
	v33 =	vld [tilespmem:$0x1F970];
	_ =	sdelay $0x2  }
0x26a: {  	v16 =	vsel vm0, v45, v37;
	v37 =	vld [tilespmem:$0x1FE00]  }
0x26b: {  	[tilespmem:v18+s11+$0x0] =	vst.idx.msk $0xffff, v17;
	v45 =	vld [tilespmem:$0x1FDF0];
	v17 =	vcombine.low v16, v15  }
0x26c: {  	v19 =	vld.idx.msk [tilespmem:v19+s9+$0x0], $0xffff;
	v20 =	vor.u32 v33, v24  }
0x26d: {  	v21 =	vor.u32 v17, v23;
	v33 =	vld [tilespmem:$0x1F990];
	_ =	sdelay $0x2  }
0x26e: {  	v8 =	vld [tilespmem:$0x1FC80];
	v17 =	vsel vm0, v37, v31;
	v18 =	vsel vm0, v22, v45  }
0x26f: {  	v7 =	vld [tilespmem:$0x1FC70];
	[tilespmem:v20+s11+$0x0] =	vst.idx.msk $0xffff, v19;
	v19 =	vcombine.low v18, v17  }
0x270: {  	v20 =	vld.idx.msk [tilespmem:v21+s9+$0x0], $0xffff;
	v21 =	vor.u32 v33, v24  }
0x271: {  	v37 =	vld [tilespmem:$0x1F9B0];
	v19 =	vor.u32 v19, v23;
	_ =	sdelay $0x2  }
0x272: {  	v22 =	vcombine.low v8, v7  }
0x273: {  	[tilespmem:v21+s11+$0x0] =	vst.idx.msk $0xffff, v20  }
0x274: {  	v31 =	vor.u32 v37, v24;
	v21 =	vld.idx.msk [tilespmem:v19+s9+$0x0], $0xffff;
	v19 =	vand.u32 $0xF, v22  }
0x275: {  	v45 =	vld [tilespmem:$0x1F9D0];
	v22 =	vor.u32 v19, v23;
	_ =	sdelay $0x2  }
0x276: {  	v20 =	vsel vm0, v35, v48;
	v19 =	vsel vm0, v32, v34  }
0x277: {  	[tilespmem:v31+s11+$0x0] =	vst.idx.msk $0xffff, v21;
	v21 =	vcombine.low v20, v19  }
0x278: {  	v2 =	vor.u32 v45, v24;
	v31 =	vld.idx.msk [tilespmem:v22+s9+$0x0], $0xffff  }
0x279: {  	v45 =	vld [tilespmem:$0x1F9F0];
	v37 =	vor.u32 v21, v23;
	_ =	sdelay $0x2  }
0x27a: {  	v22 =	vsel vm0, v36, v56;
	v21 =	vsel vm0, v44, v47  }
0x27b: {  	[tilespmem:v2+s11+$0x0] =	vst.idx.msk $0xffff, v31;
	v31 =	vcombine.low v22, v21  }
0x27c: {  	v1 =	vor.u32 v45, v24;
	v33 =	vld.idx.msk [tilespmem:v37+s9+$0x0], $0xffff  }
0x27d: {  	v45 =	vld [tilespmem:$0x1FA10];
	v2 =	vor.u32 v31, v23;
	_ =	sdelay $0x2  }
0x27e: {  	v32 =	vsel vm0, v58, v63;
	v31 =	vsel vm0, v61, v59  }
0x27f: {  	v37 =	vcombine.low v32, v31;
	[tilespmem:v1+s11+$0x0] =	vst.idx.msk $0xffff, v33  }
0x280: {  	v34 =	vld.idx.msk [tilespmem:v2+s9+$0x0], $0xffff;
	v2 =	vor.u32 v45, v24  }
0x281: {  	v35 =	vld [tilespmem:$0x1FA30];
	v33 =	vor.u32 v37, v23  }
0x282: {  	v37 =	vld [tilespmem:$0x1F7F0];
	_ =	sdelay $0x2  }
0x283: {  	[tilespmem:v2+s11+$0x0] =	vst.idx.msk $0xffff, v34  }
0x284: {  	v34 =	vor.u32 v35, v24;
	v33 =	vld.idx.msk [tilespmem:v33+s9+$0x0], $0xffff  }
0x285: {  	v50 =	vsel vm0, v50, v57;
	v57 =	vsel vm0, v60, v62;
	v62 =	vld [tilespmem:$0x1FA50];
	v45 =	vor.u32 v37, v23;
	_ =	sdelay $0x3  }
0x286: {  	v60 =	vcombine.low v57, v50;
	[tilespmem:v34+s11+$0x0] =	vst.idx.msk $0xffff, v33  }
0x287: {  	v35 =	vor.u32 v62, v24;
	v34 =	vld.idx.msk [tilespmem:v45+s9+$0x0], $0xffff  }
0x288: {  	v37 =	vld [tilespmem:$0x1FA70];
	v33 =	vor.u32 v60, v23;
	_ =	sdelay $0x2  }
0x289: {  	v1 =	vsel vm0, v51, v3;
	v3 =	vsel vm0, v53, v25  }
0x28a: {  	v2 =	vmov v36;
	v36 =	vcombine.low v3, v1;
	[tilespmem:v35+s11+$0x0] =	vst.idx.msk $0xffff, v34  }
0x28b: {  	v35 =	vor.u32 v37, v24;
	v33 =	vld.idx.msk [tilespmem:v33+s9+$0x0], $0xffff  }
0x28c: {  	v50 =	vsel vm0, v52, v4;
	v52 =	vld [tilespmem:$0x1FA80];
	v34 =	vor.u32 v36, v23;
	_ =	sdelay $0x2  }
0x28d: {  	v57 =	vld [tilespmem:$0x1F780];
	v45 =	vsel vm0, v6, v5  }
0x28e: {  	v60 =	vld [tilespmem:$0x1F790];
	v51 =	vcombine.low v50, v45;
	[tilespmem:v35+s11+$0x0] =	vst.idx.msk $0xffff, v33  }
0x28f: {  	v53 =	vor.u32 v52, v24;
	v34 =	vld.idx.msk [tilespmem:v34+s9+$0x0], $0xffff  }
0x290: {  	v62 =	vld [tilespmem:$0x1FA90];
	v33 =	vor.u32 v51, v23;
	_ =	sdelay $0x2  }
0x291: {  	v45 =	vld [tilespmem:$0x1FCB0];
	v36 =	vcombine.low v57, v60  }
0x292: {  	v50 =	vld [tilespmem:$0x1FCC0];
	[tilespmem:v53+s11+$0x0] =	vst.idx.msk $0xffff, v34  }
0x293: {  	v3 =	vor.u32 v62, v24;
	v37 =	vand.u32 $0xF, v36;
	v33 =	vld.idx.msk [tilespmem:v33+s9+$0x0], $0xffff  }
0x294: {  	v52 =	vld [tilespmem:$0x1FAA0];
	v35 =	vor.u32 v37, v23;
	_ =	sdelay $0x2  }
0x295: {  	v57 =	vld [tilespmem:$0x1FCE0]  }
0x296: {  	v60 =	vld [tilespmem:$0x1FCF0];
	v51 =	vcombine.low v45, v50;
	[tilespmem:v3+s11+$0x0] =	vst.idx.msk $0xffff, v33  }
0x297: {  	v53 =	vor.u32 v52, v24;
	v34 =	vld.idx.msk [tilespmem:v35+s9+$0x0], $0xffff  }
0x298: {  	v36 =	vld [tilespmem:$0x1FAB0];
	v33 =	vor.u32 v51, v23;
	_ =	sdelay $0x2  }
0x299: {  	v45 =	vld [tilespmem:$0x1FD60]  }
0x29a: {  	v62 =	vcombine.low v57, v60;
	v50 =	vld [tilespmem:$0x1FD70];
	[tilespmem:v53+s11+$0x0] =	vst.idx.msk $0xffff, v34  }
0x29b: {  	v37 =	vor.u32 v36, v24;
	v33 =	vld.idx.msk [tilespmem:v33+s9+$0x0], $0xffff  }
0x29c: {  	v52 =	vld [tilespmem:$0x1FAC0];
	v34 =	vor.u32 v62, v23;
	_ =	sdelay $0x2  }
0x29d: {  	v57 =	vld [tilespmem:$0x1F800]  }
0x29e: {  	v60 =	vld [tilespmem:$0x1F810];
	v51 =	vcombine.low v45, v50;
	[tilespmem:v37+s11+$0x0] =	vst.idx.msk $0xffff, v33  }
0x29f: {  	v53 =	vor.u32 v52, v24;
	v34 =	vld.idx.msk [tilespmem:v34+s9+$0x0], $0xffff  }
0x2a0: {  	v62 =	vld [tilespmem:$0x1FAD0];
	v33 =	vor.u32 v51, v23;
	_ =	sdelay $0x2  }
0x2a1: {  	v36 =	vcombine.low v57, v60;
	v45 =	vld [tilespmem:$0x1FD90]  }
0x2a2: {  	v50 =	vld [tilespmem:$0x1FDA0];
	[tilespmem:v53+s11+$0x0] =	vst.idx.msk $0xffff, v34  }
0x2a3: {  	v3 =	vor.u32 v62, v24;
	v37 =	vand.u32 $0xF, v36;
	v33 =	vld.idx.msk [tilespmem:v33+s9+$0x0], $0xffff  }
0x2a4: {  	v52 =	vld [tilespmem:$0x1FAE0];
	v35 =	vor.u32 v37, v23;
	_ =	sdelay $0x2  }
0x2a5: {  	v57 =	vld [tilespmem:$0x1FE20]  }
0x2a6: {  	v60 =	vld [tilespmem:$0x1FE30];
	v51 =	vcombine.low v45, v50;
	[tilespmem:v3+s11+$0x0] =	vst.idx.msk $0xffff, v33  }
0x2a7: {  	v53 =	vor.u32 v52, v24;
	v34 =	vld.idx.msk [tilespmem:v35+s9+$0x0], $0xffff  }
0x2a8: {  	v33 =	vor.u32 v51, v23;
	v35 =	vld [tilespmem:$0x1FAF0];
	_ =	sdelay $0x2  }
0x2a9: {  	v45 =	vld [tilespmem:$0x1FE60]  }
0x2aa: {  	v62 =	vcombine.low v57, v60;
	v37 =	vld [tilespmem:$0x1FE50];
	[tilespmem:v53+s11+$0x0] =	vst.idx.msk $0xffff, v34  }
0x2ab: {  	v36 =	vor.u32 v35, v24;
	v33 =	vld.idx.msk [tilespmem:v33+s9+$0x0], $0xffff  }
0x2ac: {  	v51 =	vld [tilespmem:$0x1FB00];
	v34 =	vor.u32 v62, v23;
	_ =	sdelay $0x3  }
0x2ad: {  	v50 =	vcombine.low v37, v45;
	[tilespmem:v36+s11+$0x0] =	vst.idx.msk $0xffff, v33  }
0x2ae: {  	v52 =	vor.u32 v51, v24;
	v34 =	vld.idx.msk [tilespmem:v34+s9+$0x0], $0xffff  }
0x2af: {  	v60 =	vld [tilespmem:$0x1FB20];
	v33 =	vor.u32 v50, v23;
	_ =	sdelay $0x2  }
0x2b0: {  	v37 =	vld [tilespmem:$0x1F700];
	v53 =	vcombine.low v0, v26  }
0x2b1: {  	[tilespmem:v52+s11+$0x0] =	vst.idx.msk $0xffff, v34;
	v34 =	vld [tilespmem:$0x1F6F0]  }
0x2b2: {  	v1 =	vor.u32 v60, v24;
	v3 =	vand.u32 $0xF, v53;
	v33 =	vld.idx.msk [tilespmem:v33+s9+$0x0], $0xffff  }
0x2b3: {  	v45 =	vld [tilespmem:$0x1FB30];
	v35 =	vor.u32 v3, v23;
	_ =	sdelay $0x3  }
0x2b4: {  	v51 =	vld [tilespmem:$0x1F710];
	v25 =	vcombine.low v37, v34;
	[tilespmem:v1+s11+$0x0] =	vst.idx.msk $0xffff, v33  }
0x2b5: {  	v62 =	vmov v26;
	v50 =	vor.u32 v45, v24;
	v26 =	vld.idx.msk [tilespmem:v35+s9+$0x0], $0xffff  }
0x2b6: {  	v52 =	vld [tilespmem:$0x1FB40];
	v25 =	vor.u32 v25, v23;
	_ =	sdelay $0x2  }
0x2b7: {  	v60 =	vld [tilespmem:$0x1F730]  }
0x2b8: {  	v53 =	vld [tilespmem:$0x1F720];
	[tilespmem:v50+s11+$0x0] =	vst.idx.msk $0xffff, v26;
	v26 =	vcombine.low v51, v27  }
0x2b9: {  	v27 =	vor.u32 v52, v24;
	v25 =	vld.idx.msk [tilespmem:v25+s9+$0x0], $0xffff  }
0x2ba: {  	v3 =	vld [tilespmem:$0x1FF50];
	v26 =	vor.u32 v26, v23;
	_ =	sdelay $0x3  }
0x2bb: {  	[tilespmem:v27+s11+$0x0] =	vst.idx.msk $0xffff, v25;
	v25 =	vcombine.low v53, v60  }
0x2bc: {  	v27 =	vor.u32 v3, v24;
	v26 =	vld.idx.msk [tilespmem:v26+s9+$0x0], $0xffff  }
0x2bd: {  	v36 =	vmov v2;
	v2 =	vld [tilespmem:$0x1FFD0];
	v25 =	vor.u32 v25, v23;
	_ =	sdelay $0x3  }
0x2be: {  	[tilespmem:v27+s11+$0x0] =	vst.idx.msk $0xffff, v26  }
0x2bf: {  	v26 =	vor.u32 v2, v24;
	v25 =	vld.idx.msk [tilespmem:v25+s9+$0x0], $0xffff;
	_ =	sdelay $0x1  }
0x2c0: {  	v28 =	vcombine.low v38, v28;
	_ =	sdelay $0x1  }
0x2c1: {  	v27 =	vand.u32 $0xF, v28  }
0x2c2: {  	v27 =	vor.u32 v27, v23;
	[tilespmem:v26+s11+$0x0] =	vst.idx.msk $0xffff, v25;
	v26 =	vld [tilespmem:$0x1FE90];
	_ =	sdelay $0x2  }
0x2c3: {  	v33 =	vld [tilespmem:$0x1F740];
	_ =	sdelay $0x1  }
0x2c4: {  	v35 =	vld.idx.msk [tilespmem:v27+s9+$0x0], $0xffff;
	v25 =	vor.u32 v26, v24;
	_ =	sdelay $0x2  }
0x2c5: {  	v34 =	vcombine.low v33, v55;
	_ =	sdelay $0x1  }
0x2c6: {  	v1 =	vor.u32 v34, v23;
	[tilespmem:v25+s11+$0x0] =	vst.idx.msk $0xffff, v35;
	v25 =	vld [tilespmem:$0x1FE80];
	_ =	sdelay $0x3  }
0x2c7: {  	v37 =	vcombine.low v54, v49  }
0x2c8: {  	v1 =	vld.idx.msk [tilespmem:v1+s9+$0x0], $0xffff;
	v38 =	vor.u32 v25, v24  }
0x2c9: {  	v2 =	vor.u32 v37, v23;
	v27 =	vld [tilespmem:$0x1FEA0];
	_ =	sdelay $0x3  }
0x2ca: {  	v43 =	vcombine.low v46, v43;
	[tilespmem:v38+s11+$0x0] =	vst.idx.msk $0xffff, v1  }
0x2cb: {  	v45 =	vor.u32 v27, v24;
	v2 =	vld.idx.msk [tilespmem:v2+s9+$0x0], $0xffff  }
0x2cc: {  	v28 =	vld [tilespmem:$0x1FEB0];
	v1 =	vor.u32 v43, v23;
	_ =	sdelay $0x2  }
0x2cd: {  	v4 =	vcombine.low v29, v30  }
0x2ce: {  	[tilespmem:v45+s11+$0x0] =	vst.idx.msk $0xffff, v2  }
0x2cf: {  	v49 =	vand.u32 $0xF, v4;
	v46 =	vor.u32 v28, v24;
	v1 =	vld.idx.msk [tilespmem:v1+s9+$0x0], $0xffff  }
0x2d0: {  	v3 =	vor.u32 v49, v23;
	v60 =	vld [tilespmem:$0x1FEC0];
	_ =	sdelay $0x3  }
0x2d1: {  	v50 =	vcombine.low v42, v41;
	[tilespmem:v46+s11+$0x0] =	vst.idx.msk $0xffff, v1  }
0x2d2: {  	v33 =	vor.u32 v60, v24;
	v2 =	vld.idx.msk [tilespmem:v3+s9+$0x0], $0xffff  }
0x2d3: {  	v51 =	vld [tilespmem:$0x1FEE0];
	v1 =	vor.u32 v50, v23;
	_ =	sdelay $0x3  }
0x2d4: {  	v34 =	vcombine.low v40, v39;
	[tilespmem:v33+s11+$0x0] =	vst.idx.msk $0xffff, v2  }
0x2d5: {  	v43 =	vor.u32 v51, v24;
	v1 =	vld.idx.msk [tilespmem:v1+s9+$0x0], $0xffff  }
0x2d6: {  	v38 =	vld [tilespmem:$0x1FED0];
	v2 =	vor.u32 v34, v23;
	_ =	sdelay $0x3  }
0x2d7: {  	v45 =	vcombine.low v11, v12;
	[tilespmem:v43+s11+$0x0] =	vst.idx.msk $0xffff, v1  }
0x2d8: {  	v49 =	vor.u32 v38, v24;
	v2 =	vld.idx.msk [tilespmem:v2+s9+$0x0], $0xffff  }
0x2d9: {  	v35 =	vld [tilespmem:$0x1FF20];
	v1 =	vor.u32 v45, v23;
	_ =	sdelay $0x2  }
0x2da: {  	v4 =	vcombine.low v10, v9  }
0x2db: {  	[tilespmem:v49+s11+$0x0] =	vst.idx.msk $0xffff, v2  }
0x2dc: {  	v51 =	vand.u32 $0xF, v4;
	v50 =	vor.u32 v35, v24;
	v1 =	vld.idx.msk [tilespmem:v1+s9+$0x0], $0xffff  }
0x2dd: {  	v11 =	vld [tilespmem:$0x1FEF0];
	v3 =	vor.u32 v51, v23;
	_ =	sdelay $0x3  }
0x2de: {  	v52 =	vcombine.low v13, v14;
	[tilespmem:v50+s11+$0x0] =	vst.idx.msk $0xffff, v1  }
0x2df: {  	v55 =	vor.u32 v11, v24;
	v2 =	vld.idx.msk [tilespmem:v3+s9+$0x0], $0xffff  }
0x2e0: {  	v30 =	vld [tilespmem:$0x1FF70];
	v1 =	vor.u32 v52, v23;
	_ =	sdelay $0x3  }
0x2e1: {  	v60 =	vcombine.low v15, v16;
	[tilespmem:v55+s11+$0x0] =	vst.idx.msk $0xffff, v2  }
0x2e2: {  	v42 =	vor.u32 v30, v24;
	v1 =	vld.idx.msk [tilespmem:v1+s9+$0x0], $0xffff  }
0x2e3: {  	v39 =	vld [tilespmem:$0x1FF00];
	v2 =	vor.u32 v60, v23;
	_ =	sdelay $0x3  }
0x2e4: {  	v43 =	vcombine.low v17, v18;
	[tilespmem:v42+s11+$0x0] =	vst.idx.msk $0xffff, v1  }
0x2e5: {  	v46 =	vor.u32 v39, v24;
	v2 =	vld.idx.msk [tilespmem:v2+s9+$0x0], $0xffff  }
0x2e6: {  	v53 =	vld [tilespmem:$0x1FF40];
	v1 =	vor.u32 v43, v23;
	_ =	sdelay $0x2  }
0x2e7: {  	v4 =	vcombine.low v7, v8  }
0x2e8: {  	[tilespmem:v46+s11+$0x0] =	vst.idx.msk $0xffff, v2  }
0x2e9: {  	v16 =	vmov v47;
	v47 =	vor.u32 v53, v24;
	v49 =	vand.u32 $0xF, v4;
	v1 =	vld.idx.msk [tilespmem:v1+s9+$0x0], $0xffff  }
0x2ea: {  	v54 =	vld [tilespmem:$0x1FF10];
	v3 =	vor.u32 v49, v23;
	_ =	sdelay $0x3  }
0x2eb: {  	v29 =	vld [tilespmem:$0x1FF60];
	v50 =	vcombine.low v19, v20;
	[tilespmem:v47+s11+$0x0] =	vst.idx.msk $0xffff, v1  }
0x2ec: {  	v51 =	vor.u32 v54, v24;
	v2 =	vld.idx.msk [tilespmem:v3+s9+$0x0], $0xffff  }
0x2ed: {  	v35 =	vld [tilespmem:$0x1FF80];
	v1 =	vor.u32 v50, v23  }
0x2ee: {  	v9 =	vld [tilespmem:$0x1F9C0]  }
0x2ef: {  	v14 =	vld [tilespmem:$0x1F980]  }
0x2f0: {  	v13 =	vld [tilespmem:$0x1F960]  }
0x2f1: {  	v15 =	vld [tilespmem:$0x1F9A0];
	v52 =	vcombine.low v21, v22;
	[tilespmem:v51+s11+$0x0] =	vst.idx.msk $0xffff, v2  }
0x2f2: {  	v53 =	vor.u32 v35, v24;
	v1 =	vld.idx.msk [tilespmem:v1+s9+$0x0], $0xffff  }
0x2f3: {  	v37 =	vld [tilespmem:$0x1FD10];
	v2 =	vor.u32 v52, v23  }
0x2f4: {  	v7 =	vld [tilespmem:$0x1FA40]  }
0x2f5: {  	v12 =	vld [tilespmem:$0x1F940]  }
0x2f6: {  	v54 =	vcombine.low v31, v32;
	v32 =	vld [tilespmem:$0x1FFE0]  }
0x2f7: {  	v31 =	vld [tilespmem:$0x1FFA0];
	[tilespmem:v53+s11+$0x0] =	vst.idx.msk $0xffff, v1  }
0x2f8: {  	v55 =	vor.u32 v29, v24;
	v2 =	vld.idx.msk [tilespmem:v2+s9+$0x0], $0xffff  }
0x2f9: {  	v1 =	vor.u32 v54, v23;
	v23 =	vld [tilespmem:$0x1FF30]  }
0x2fa: {  	v35 =	vld [tilespmem:$0x1FFF0]  }
0x2fb: {  	v34 =	vld [tilespmem:$0x1FFC0]  }
0x2fc: {  	v45 =	vld [tilespmem:$0x1FA00]  }
0x2fd: {  	v17 =	vld [tilespmem:$0x1F9E0];
	[tilespmem:v55+s11+$0x0] =	vst.idx.msk $0xffff, v2  }
0x2fe: {  	p0 =	sne.s32 s16, $0x1F0;
	v60 =	vor.u32 v23, v24;
	v1 =	vld.idx.msk [tilespmem:v1+s9+$0x0], $0xffff  }
.Ltmp0:
0x2ff: {  	v18 =	vld [tilespmem:$0x1FB10];
	(pc) =	sbr.rel @p0 .LBB2_2-.Ltmp0, $4  }
0x300: {  	v20 =	vld [tilespmem:$0x1FF90]  }
0x301: {  	v19 =	vld [tilespmem:$0x1FA20]  }
0x302: {  	v22 =	vld [tilespmem:$0x1FFB0]  }
0x303: {  	s15 =	sadd.s32 $0x10, s15;
	s16 =	sadd.s32 $0x10, s16;
	v57 =	vmov v0;
	v33 =	vmov v44;
	v21 =	vld [tilespmem:$0x1FA60];
	v24 =	vlaneseq.u32;
	[tilespmem:v60+s11+$0x0] =	vst.idx.msk $0xffff, v1  }
0x304: {  	s14 =	sadd.s32 $0x1, s14  }
0x305: {  	p0 =	sne.s32 s14, s6  }
.Ltmp1:
0x306: {  	_ = 	snop;
	(pc) =	sbr.rel @p0 .LBB2_1-.Ltmp1, $4  }
0x307: {  	[hbm4b:s5+s12] =	stream.strided.scatter [tilespmem:s11], [sflag:$0x2], $0x8000, s13, s12, $0x38;
	[tilespmem:$0x18400] =	vst v63  }
0x308: {  	_ =	swait.ge [sflag:s7], $0x8000  }
0x309: {  	[sflag:s7] =	ssyncset.done $0x0  }
0x30a: {  	[sflag:s7] =	ssyncadd.s32 $0xFFFF8000  }
0x30b: {  	_ =	sfence.sel $0x180000  }
0x30c: {  	[bflag:$0x0] =	sbarrier.arrive $0xFFFF  }
0x30d: {  	p0 =	sne.s32 s1, $0x0;
	_ =	strace $0x90000047  }
0x30e: {  	s0 =	sadd.s32 @!p0 $0x100000, s0;
	[bflag:$0x2] =	sbarrier.arrive $0xFFFF  }
0x30f: {  	[sflag:s0] =	ssyncadd.tile.s32 @!p0 $0x1;
	_ =	shalt  }
.Lfunc_end2:
_tile_overlayer_lowered:
.L_overlay_start_2:
0x310: {  	(tag) =	ssettag $0x2  }
0x311: {  	s0 =	rddreg [dreg:$0x0];
	s2 =	stileid.u32  }
0x312: {  	s1 =	rddreg [dreg:$0x1];
	p0 =	sne.s32 s2, $0x0  }
0x313: {  	s3 =	rddreg [dreg:$0x2];
	[bflag:$0x3] =	sbarrier.arrive $0xFFFF;
	s2 =	simm.s32 @!p0 $0x1C02  }
0x314: {  	[timem:s3], [sflag:s2] =	dma.local @!p0 [hbm:s0], s1  }
0x315: {  	s0 =	simm.s32 @!p0 $0x2  }
0x316: {  	_ =	swait.ge @!p0 [sflag:s0], s1  }
0x317: {  	s1 =	ssub.s32 @!p0 $0x0, s1;
	[sflag:s0] =	ssyncset.done @!p0 $0x0  }
0x318: {  	[sflag:s0] =	ssyncadd.s32 @!p0 s1  }
0x319: {  	[bflag:$0x3] =	sbarrier.arrive $0xFFFF  }
0x31a: {  	_ =	shalt  }

</sc_bundles>
